<compile_context>
chip_gen: v7x
topology: tpu7x:2x2x1
jax: 0.10.2.dev20260603
libtpu: 0.0.44.dev20260713+nightly
codegen_flags: <defaults>
</compile_context>

<pallas_src>
import functools

import jax
import jax.numpy as jnp
from jax import lax
from jax.experimental import pallas as pl
from jax.experimental.pallas import tpu as pltpu
from jax.experimental.pallas import tpu_sc as plsc

MAX_DIST_K = 100
HEADS = 8
LANES = 16
NUM_WORKERS = 32
ROWS_PER_CHUNK = 16
SUBLANES = 8
LANE_TILE = 128
TABLE_ROWS = MAX_DIST_K + 2


def _sc_lookup(dist_t, table_rep, b, n):
    batches_per_w = b // NUM_WORKERS
    chunks_per_b = n // ROWS_PER_CHUNK
    ntiles = n // LANE_TILE
    rowgrp = ROWS_PER_CHUNK // SUBLANES
    mesh = plsc.VectorSubcoreMesh(core_axis_name="c", subcore_axis_name="s")

    @functools.partial(
        pl.kernel,
        mesh=mesh,
        compiler_params=pltpu.CompilerParams(
            needs_layout_passes=False, use_tc_tiling_on_sc=False),
        out_type=jax.ShapeDtypeStruct((b, n, ntiles, HEADS, LANE_TILE),
                                      jnp.float32),
        scratch_types=[
            pltpu.VMEM((TABLE_ROWS * HEADS * LANES,), jnp.float32),
            pltpu.VMEM((2, rowgrp, ntiles, SUBLANES, LANE_TILE), jnp.int32),
            pltpu.VMEM((2, ROWS_PER_CHUNK, ntiles, HEADS, LANE_TILE),
                       jnp.float32),
            pltpu.SemaphoreType.DMA,
            pltpu.SemaphoreType.DMA,
            pltpu.SemaphoreType.DMA,
            pltpu.SemaphoreType.DMA,
        ],
    )
    def k(dist_hbm, table_hbm, out_hbm, table_v, din, out_v,
          sin0, sin1, sout0, sout1):
        wid = lax.axis_index("s") * 2 + lax.axis_index("c")
        pltpu.sync_copy(table_hbm, table_v)
        lane = lax.iota(jnp.int32, LANES)
        nblk = LANE_TILE // LANES
        nchunks = batches_per_w * chunks_per_b
        sins = (sin0, sin1)
        souts = (sout0, sout1)

        def din_src(g):
            bb = wid * batches_per_w + g // chunks_per_b
            return dist_hbm.at[bb, pl.ds((g % chunks_per_b) * rowgrp, rowgrp)]

        def out_dst(g):
            bb = wid * batches_per_w + g // chunks_per_b
            r0 = (g % chunks_per_b) * ROWS_PER_CHUNK
            return out_hbm.at[bb, pl.ds(r0, ROWS_PER_CHUNK)]

        for bslot in range(2):
            pltpu.make_async_copy(din_src(bslot), din.at[bslot],
                                  sins[bslot]).start()

        def pair_body(g0, carry):
            for bslot in range(2):
                g = g0 + bslot
                dslot, oslot = din.at[bslot], out_v.at[bslot]
                pltpu.make_async_copy(din_src(g), dslot, sins[bslot]).wait()

                @pl.when(g >= 2)
                def _():
                    pltpu.make_async_copy(oslot, out_dst(g - 2),
                                          souts[bslot]).wait()

                @plsc.parallel_loop(0, ROWS_PER_CHUNK * n // LANES, unroll=4)
                def vec_body(i):
                    jb = i & (nblk - 1)
                    t = (i >> 3) & (ntiles - 1)
                    s = (i >> 4) & (SUBLANES - 1)
                    p = i >> 7
                    lb = jb * LANES
                    v = dslot[p, t, s, pl.ds(lb, LANES)]
                    a = (jnp.minimum(jnp.maximum(v, -1), MAX_DIST_K) + 1) * (
                        HEADS * LANES) + lane
                    row = p * SUBLANES + s
                    for h in range(HEADS):
                        g_h = plsc.load_gather(table_v, [a + h * LANES])
                        oslot[row, t, h, pl.ds(lb, LANES)] = g_h

                pltpu.make_async_copy(oslot, out_dst(g), souts[bslot]).start()

                @pl.when(g + 2 < nchunks)
                def _():
                    pltpu.make_async_copy(din_src(g + 2), din.at[bslot],
                                          sins[bslot]).start()
            return carry

        lax.fori_loop(0, nchunks // 2, lambda q, c: pair_body(q * 2, c), 0)
        for bslot in range(2):
            pltpu.make_async_copy(out_v.at[bslot],
                                  out_dst(nchunks - 2 + bslot),
                                  souts[bslot]).wait()

    return k(dist_t, table_rep)


def kernel(dist, table):
    b, n, _ = dist.shape
    table_rep = jnp.broadcast_to(
        table.reshape(-1)[:, None], (TABLE_ROWS * HEADS, LANES)).reshape(-1)
    dist_t = dist.reshape(b, n // SUBLANES, SUBLANES, n // LANE_TILE,
                          LANE_TILE).transpose(0, 1, 3, 2, 4)
    y = _sc_lookup(dist_t, table_rep, b, n)
    return jnp.transpose(y, (0, 1, 2, 4, 3)).reshape(b, n, n, HEADS)

# --- scband reference (transcript-rebuilt; emitter-appended) ---
"""Pipeline reference for scband-spatial-encoder-batch-29643864277536 (READ-ONLY COPY).

The authoritative reference and input builder live on the scoring server;
editing this copy changes nothing except your own understanding.
"""

import jax, jax.numpy as jnp
import numpy as np

MAX_DIST = 100
NUM_HEADS = 8
B, N = 64, 256


def setup_inputs(seed: int = 0) -> dict:
    key = jax.random.key(seed)
    k1, k2 = jax.random.split(key)
    # pairwise shortest-path distances per graph (precomputed; -1 padding possible,
    # randint here yields values in [0, 128) to also exercise the clamp-to-max path)
    dist = jax.random.randint(k1, (B, N, N), 0, 128, dtype=jnp.int32)
    # nn.Embedding(max_dist + 2, num_heads, padding_idx=0) -> row 0 is zeros
    table = jax.random.normal(k2, (MAX_DIST + 2, NUM_HEADS), dtype=jnp.float32) * 0.02
    table = table.at[0].set(0.0)
    return {"dist": dist, "table": table}


def reference(dist, table):
    # SpatialEncoder.forward: embed(clamp(dist, -1, max_dist) + 1)
    idx = jnp.clip(dist, -1, MAX_DIST) + 1
    spatial_pos_bias = jnp.take(table, idx, axis=0)  # [B, N, N, num_heads]
    return spatial_pos_bias

if __name__ == "__main__":
    import jax
    _d = setup_inputs()
    print(jax.jit(kernel)(*tuple(_d.values())))

</pallas_src>

<mosaic_0001>
#map = affine_map<(d0, d1) -> (0, 0, 0, 0, 0)>
#map1 = affine_map<(d0, d1) -> (0)>
module attributes {stable_mosaic.version = 14 : i64} {
  func.func @k(%arg0: i32, %arg1: i32, %arg2: memref<64x32x2x8x128xi32, #tpu.memory_space<hbm>>, %arg3: memref<13056xf32, #tpu.memory_space<hbm>>, %arg4: memref<64x256x2x8x128xf32, #tpu.memory_space<hbm>>, %arg5: memref<13056xf32, #tpu.memory_space<vmem>>, %arg6: memref<2x2x2x8x128xi32, #tpu.memory_space<vmem>>, %arg7: memref<2x16x2x8x128xf32, #tpu.memory_space<vmem>>, %arg8: memref<!tpu.dma_semaphore, #tpu.memory_space<semaphore_mem>>, %arg9: memref<!tpu.dma_semaphore, #tpu.memory_space<semaphore_mem>>, %arg10: memref<!tpu.dma_semaphore, #tpu.memory_space<semaphore_mem>>, %arg11: memref<!tpu.dma_semaphore, #tpu.memory_space<semaphore_mem>>) attributes {dimension_semantics = [#tpu.dimension_semantics<core_parallel>, #tpu.dimension_semantics<subcore_parallel>], iteration_bounds = array<i64: 2, 16>, scalar_prefetch = 0 : i64, scratch_operands = 7 : i64, tpu.core_type = #tpu.core_type<sc_vector_subcore>, window_params = [{transform_indices = #map}, {transform_indices = #map1}, {transform_indices = #map}]} {
    %mul3A = arith.constant 2 : i32
    %mul3A_0 = arith.muli %arg1, %mul3A : i32
    %add3A = arith.addi %mul3A_0, %arg0 : i32
    "tpu.region"() ({
      %run_scoped3A = tpu.sem_alloc : memref<!tpu.dma_semaphore, #tpu.memory_space<semaphore_mem>>
      tpu.enqueue_dma source(%arg3 : memref<13056xf32, #tpu.memory_space<hbm>>) target(%arg5 : memref<13056xf32, #tpu.memory_space<vmem>>) target_semaphore(%run_scoped3A : memref<!tpu.dma_semaphore, #tpu.memory_space<semaphore_mem>>)
      tpu.wait_dma2 semaphore(%run_scoped3A : memref<!tpu.dma_semaphore, #tpu.memory_space<semaphore_mem>>) src(%arg3 : memref<13056xf32, #tpu.memory_space<hbm>>) dst(%arg5 : memref<13056xf32, #tpu.memory_space<vmem>>)
      tpu.yield
    }) : () -> ()
    %iota3A = tpu.iota {dimensions = array<i32: 0>} : vector<16xi32>
    %mul3A_1 = arith.constant 2 : i32
    %mul3A_2 = arith.muli %add3A, %mul3A_1 : i32
    %add3A_3 = arith.constant 0 : i32
    %add3A_4 = arith.addi %mul3A_2, %add3A_3 : i32
    %dma_start3A = arith.constant 0 : i32
    %dma_start3A_5 = arith.constant 0 : i32
    %dma_start3A_6 = arith.constant 0 : i32
    %dma_start3A_7 = arith.constant 0 : i32
    %dma_start3A_8 = arith.constant 0 : i32
    %dma_start3A_9 = tpu.memref_slice %arg6[%dma_start3A, %dma_start3A_5, %dma_start3A_6, %dma_start3A_7, %dma_start3A_8] : memref<2x2x2x8x128xi32, #tpu.memory_space<vmem>> -> memref<1x2x2x8x128xi32, #tpu.memory_space<vmem>>
    %dma_start3A_10 = tpu.memref_squeeze %dma_start3A_9 : memref<1x2x2x8x128xi32, #tpu.memory_space<vmem>> -> memref<2x2x8x128xi32, #tpu.memory_space<vmem>>
    %dma_start3A_11 = arith.constant 0 : i32
    %dma_start3A_12 = arith.constant 0 : i32
    %dma_start3A_13 = arith.constant 0 : i32
    %dma_start3A_14 = arith.constant 0 : i32
    %dma_start3A_15 = tpu.memref_slice %arg2[%add3A_4, %dma_start3A_11, %dma_start3A_12, %dma_start3A_13, %dma_start3A_14] : memref<64x32x2x8x128xi32, #tpu.memory_space<hbm>> -> memref<1x2x2x8x128xi32, #tpu.memory_space<hbm>>
    %dma_start3A_16 = tpu.memref_squeeze %dma_start3A_15 : memref<1x2x2x8x128xi32, #tpu.memory_space<hbm>> -> memref<2x2x8x128xi32, #tpu.memory_space<hbm>>
    %dma_start3A_17 = arith.constant 0 : i32
    %dma_start3A_18 = arith.constant 0 : i32
    %dma_start3A_19 = arith.constant 0 : i32
    %dma_start3A_20 = arith.constant 0 : i32
    %dma_start3A_21 = tpu.memref_slice %arg6[%dma_start3A, %dma_start3A_17, %dma_start3A_18, %dma_start3A_19, %dma_start3A_20] : memref<2x2x2x8x128xi32, #tpu.memory_space<vmem>> -> memref<1x2x2x8x128xi32, #tpu.memory_space<vmem>>
    %dma_start3A_22 = tpu.memref_squeeze %dma_start3A_21 : memref<1x2x2x8x128xi32, #tpu.memory_space<vmem>> -> memref<2x2x8x128xi32, #tpu.memory_space<vmem>>
    %dma_start3A_23 = arith.constant 0 : i32
    %dma_start3A_24 = arith.constant 0 : i32
    %dma_start3A_25 = arith.constant 0 : i32
    %dma_start3A_26 = arith.constant 0 : i32
    %dma_start3A_27 = tpu.memref_slice %arg2[%add3A_4, %dma_start3A_23, %dma_start3A_24, %dma_start3A_25, %dma_start3A_26] : memref<64x32x2x8x128xi32, #tpu.memory_space<hbm>> -> memref<1x2x2x8x128xi32, #tpu.memory_space<hbm>>
    %dma_start3A_28 = tpu.memref_squeeze %dma_start3A_27 : memref<1x2x2x8x128xi32, #tpu.memory_space<hbm>> -> memref<2x2x8x128xi32, #tpu.memory_space<hbm>>
    tpu.enqueue_dma source(%dma_start3A_28 : memref<2x2x8x128xi32, #tpu.memory_space<hbm>>) target(%dma_start3A_22 : memref<2x2x8x128xi32, #tpu.memory_space<vmem>>) target_semaphore(%arg8 : memref<!tpu.dma_semaphore, #tpu.memory_space<semaphore_mem>>)
    %mul3A_29 = arith.constant 2 : i32
    %mul3A_30 = arith.muli %add3A, %mul3A_29 : i32
    %add3A_31 = arith.constant 0 : i32
    %add3A_32 = arith.addi %mul3A_30, %add3A_31 : i32
    %dma_start3A_33 = arith.constant 1 : i32
    %dma_start3A_34 = arith.constant 0 : i32
    %dma_start3A_35 = arith.constant 0 : i32
    %dma_start3A_36 = arith.constant 0 : i32
    %dma_start3A_37 = arith.constant 0 : i32
    %dma_start3A_38 = tpu.memref_slice %arg6[%dma_start3A_33, %dma_start3A_34, %dma_start3A_35, %dma_start3A_36, %dma_start3A_37] : memref<2x2x2x8x128xi32, #tpu.memory_space<vmem>> -> memref<1x2x2x8x128xi32, #tpu.memory_space<vmem>>
    %dma_start3A_39 = tpu.memref_squeeze %dma_start3A_38 : memref<1x2x2x8x128xi32, #tpu.memory_space<vmem>> -> memref<2x2x8x128xi32, #tpu.memory_space<vmem>>
    %dma_start3A_40 = arith.constant 2 : i32
    %dma_start3A_41 = arith.constant 0 : i32
    %dma_start3A_42 = arith.constant 0 : i32
    %dma_start3A_43 = arith.constant 0 : i32
    %dma_start3A_44 = tpu.memref_slice %arg2[%add3A_32, %dma_start3A_40, %dma_start3A_41, %dma_start3A_42, %dma_start3A_43] : memref<64x32x2x8x128xi32, #tpu.memory_space<hbm>> -> memref<1x2x2x8x128xi32, #tpu.memory_space<hbm>>
    %dma_start3A_45 = tpu.memref_squeeze %dma_start3A_44 : memref<1x2x2x8x128xi32, #tpu.memory_space<hbm>> -> memref<2x2x8x128xi32, #tpu.memory_space<hbm>>
    %dma_start3A_46 = arith.constant 0 : i32
    %dma_start3A_47 = arith.constant 0 : i32
    %dma_start3A_48 = arith.constant 0 : i32
    %dma_start3A_49 = arith.constant 0 : i32
    %dma_start3A_50 = tpu.memref_slice %arg6[%dma_start3A_33, %dma_start3A_46, %dma_start3A_47, %dma_start3A_48, %dma_start3A_49] : memref<2x2x2x8x128xi32, #tpu.memory_space<vmem>> -> memref<1x2x2x8x128xi32, #tpu.memory_space<vmem>>
    %dma_start3A_51 = tpu.memref_squeeze %dma_start3A_50 : memref<1x2x2x8x128xi32, #tpu.memory_space<vmem>> -> memref<2x2x8x128xi32, #tpu.memory_space<vmem>>
    %dma_start3A_52 = arith.constant 2 : i32
    %dma_start3A_53 = arith.constant 0 : i32
    %dma_start3A_54 = arith.constant 0 : i32
    %dma_start3A_55 = arith.constant 0 : i32
    %dma_start3A_56 = tpu.memref_slice %arg2[%add3A_32, %dma_start3A_52, %dma_start3A_53, %dma_start3A_54, %dma_start3A_55] : memref<64x32x2x8x128xi32, #tpu.memory_space<hbm>> -> memref<1x2x2x8x128xi32, #tpu.memory_space<hbm>>
    %dma_start3A_57 = tpu.memref_squeeze %dma_start3A_56 : memref<1x2x2x8x128xi32, #tpu.memory_space<hbm>> -> memref<2x2x8x128xi32, #tpu.memory_space<hbm>>
    tpu.enqueue_dma source(%dma_start3A_57 : memref<2x2x8x128xi32, #tpu.memory_space<hbm>>) target(%dma_start3A_51 : memref<2x2x8x128xi32, #tpu.memory_space<vmem>>) target_semaphore(%arg9 : memref<!tpu.dma_semaphore, #tpu.memory_space<semaphore_mem>>)
    %scan3A = arith.constant 0 : i32
    %scan3A_58 = arith.constant 0 : i32
    %scan3A_59 = arith.constant 16 : i32
    %scan3A_60 = arith.addi %scan3A_58, %scan3A_59 : i32
    %scan3A_61 = arith.constant 1 : i32
    scf.for %scan3A_120 = %scan3A_58 to %scan3A_60 step %scan3A_61  : i32 {
      %mul3A_121 = arith.constant 2 : i32
      %mul3A_122 = arith.muli %scan3A_120, %mul3A_121 : i32
      %add3A_123 = arith.constant 0 : i32
      %add3A_124 = arith.addi %mul3A_122, %add3A_123 : i32
      %mul3A_125 = arith.constant 2 : i32
      %mul3A_126 = arith.muli %add3A, %mul3A_125 : i32
      %jit3A = arith.constant 16 : i32
      %div3A = arith.divsi %add3A_124, %jit3A : i32
      %sign3A = arith.constant 0 : i32
      %sign3A_127 = arith.cmpi sgt, %add3A_124, %sign3A : i32
      %sign3A_128 = arith.extui %sign3A_127 : i1 to i32
      %sign3A_129 = arith.constant 0 : i32
      %sign3A_130 = arith.cmpi slt, %add3A_124, %sign3A_129 : i32
      %sign3A_131 = arith.extui %sign3A_130 : i1 to i32
      %sign3A_132 = arith.subi %sign3A_128, %sign3A_131 : i32
      %sign3A_133 = arith.constant 0 : i32
      %sign3A_134 = arith.cmpi sgt, %jit3A, %sign3A_133 : i32
      %sign3A_135 = arith.extui %sign3A_134 : i1 to i32
      %sign3A_136 = arith.constant 0 : i32
      %sign3A_137 = arith.cmpi slt, %jit3A, %sign3A_136 : i32
      %sign3A_138 = arith.extui %sign3A_137 : i1 to i32
      %sign3A_139 = arith.subi %sign3A_135, %sign3A_138 : i32
      %ne3A = arith.cmpi ne, %sign3A_132, %sign3A_139 : i32
      %rem3A = arith.remsi %add3A_124, %jit3A : i32
      %ne3A_140 = arith.constant 0 : i32
      %ne3A_141 = arith.cmpi ne, %rem3A, %ne3A_140 : i32
      %and3A = arith.andi %ne3A, %ne3A_141 : i1
      %sub3A = arith.constant 1 : i32
      %sub3A_142 = arith.subi %div3A, %sub3A : i32
      %select_n3A = arith.select %and3A, %sub3A_142, %div3A : i32
      %add3A_143 = arith.addi %mul3A_126, %select_n3A : i32
      %jit3A_144 = arith.constant 16 : i32
      %eq3A = arith.constant 0 : i32
      %eq3A_145 = arith.cmpi eq, %jit3A_144, %eq3A : i32
      %jit3A_146 = arith.constant 1 : i32
      %select_n3A_147 = arith.select %eq3A_145, %jit3A_146, %jit3A_144 : i32
      %rem3A_148 = arith.remsi %add3A_124, %select_n3A_147 : i32
      %ne3A_149 = arith.constant 0 : i32
      %ne3A_150 = arith.cmpi ne, %rem3A_148, %ne3A_149 : i32
      %lt3A = arith.constant 0 : i32
      %lt3A_151 = arith.cmpi slt, %rem3A_148, %lt3A : i32
      %lt3A_152 = arith.constant 0 : i32
      %lt3A_153 = arith.cmpi slt, %select_n3A_147, %lt3A_152 : i32
      %ne3A_154 = arith.xori %lt3A_151, %lt3A_153 : i1
      %and3A_155 = arith.andi %ne3A_154, %ne3A_150 : i1
      %add3A_156 = arith.addi %rem3A_148, %select_n3A_147 : i32
      %select_n3A_157 = arith.select %and3A_155, %add3A_156, %rem3A_148 : i32
      %mul3A_158 = arith.constant 2 : i32
      %mul3A_159 = arith.muli %select_n3A_157, %mul3A_158 : i32
      %dma_wait3A_160 = arith.constant 0 : i32
      %dma_wait3A_161 = arith.constant 0 : i32
      %dma_wait3A_162 = arith.constant 0 : i32
      %dma_wait3A_163 = arith.constant 0 : i32
      %dma_wait3A_164 = arith.constant 0 : i32
      %dma_wait3A_165 = tpu.memref_slice %arg6[%dma_wait3A_160, %dma_wait3A_161, %dma_wait3A_162, %dma_wait3A_163, %dma_wait3A_164] : memref<2x2x2x8x128xi32, #tpu.memory_space<vmem>> -> memref<1x2x2x8x128xi32, #tpu.memory_space<vmem>>
      %dma_wait3A_166 = tpu.memref_squeeze %dma_wait3A_165 : memref<1x2x2x8x128xi32, #tpu.memory_space<vmem>> -> memref<2x2x8x128xi32, #tpu.memory_space<vmem>>
      %dma_wait3A_167 = arith.constant 0 : i32
      %dma_wait3A_168 = arith.constant 0 : i32
      %dma_wait3A_169 = arith.constant 0 : i32
      %dma_wait3A_170 = tpu.memref_slice %arg2[%add3A_143, %mul3A_159, %dma_wait3A_167, %dma_wait3A_168, %dma_wait3A_169] : memref<64x32x2x8x128xi32, #tpu.memory_space<hbm>> -> memref<1x2x2x8x128xi32, #tpu.memory_space<hbm>>
      %dma_wait3A_171 = tpu.memref_squeeze %dma_wait3A_170 : memref<1x2x2x8x128xi32, #tpu.memory_space<hbm>> -> memref<2x2x8x128xi32, #tpu.memory_space<hbm>>
      %dma_wait3A_172 = arith.constant 0 : i32
      %dma_wait3A_173 = arith.constant 0 : i32
      %dma_wait3A_174 = arith.constant 0 : i32
      %dma_wait3A_175 = arith.constant 0 : i32
      %dma_wait3A_176 = tpu.memref_slice %arg6[%dma_wait3A_160, %dma_wait3A_172, %dma_wait3A_173, %dma_wait3A_174, %dma_wait3A_175] : memref<2x2x2x8x128xi32, #tpu.memory_space<vmem>> -> memref<1x2x2x8x128xi32, #tpu.memory_space<vmem>>
      %dma_wait3A_177 = tpu.memref_squeeze %dma_wait3A_176 : memref<1x2x2x8x128xi32, #tpu.memory_space<vmem>> -> memref<2x2x8x128xi32, #tpu.memory_space<vmem>>
      %dma_wait3A_178 = arith.constant 0 : i32
      %dma_wait3A_179 = arith.constant 0 : i32
      %dma_wait3A_180 = arith.constant 0 : i32
      %dma_wait3A_181 = tpu.memref_slice %arg2[%add3A_143, %mul3A_159, %dma_wait3A_178, %dma_wait3A_179, %dma_wait3A_180] : memref<64x32x2x8x128xi32, #tpu.memory_space<hbm>> -> memref<1x2x2x8x128xi32, #tpu.memory_space<hbm>>
      %dma_wait3A_182 = tpu.memref_squeeze %dma_wait3A_181 : memref<1x2x2x8x128xi32, #tpu.memory_space<hbm>> -> memref<2x2x8x128xi32, #tpu.memory_space<hbm>>
      tpu.wait_dma2 semaphore(%arg8 : memref<!tpu.dma_semaphore, #tpu.memory_space<semaphore_mem>>) src(%dma_wait3A_182 : memref<2x2x8x128xi32, #tpu.memory_space<hbm>>) dst(%dma_wait3A_177 : memref<2x2x8x128xi32, #tpu.memory_space<vmem>>)
      %ge3A = arith.constant 2 : i32
      %ge3A_183 = arith.cmpi sge, %add3A_124, %ge3A : i32
      %convert_element_type3A = arith.extui %ge3A_183 : i1 to i32
      %cond3A = arith.constant 0 : i32
      %cond3A_184 = arith.constant 0 : i32
      %cond3A_185 = arith.cmpi ne, %convert_element_type3A, %cond3A_184 : i32
      scf.if %cond3A_185 {
        %sub3A_421 = arith.constant 2 : i32
        %sub3A_422 = arith.subi %add3A_124, %sub3A_421 : i32
        %mul3A_423 = arith.constant 2 : i32
        %mul3A_424 = arith.muli %add3A, %mul3A_423 : i32
        %jit3A_425 = arith.constant 16 : i32
        %div3A_426 = arith.divsi %sub3A_422, %jit3A_425 : i32
        %sign3A_427 = arith.constant 0 : i32
        %sign3A_428 = arith.cmpi sgt, %sub3A_422, %sign3A_427 : i32
        %sign3A_429 = arith.extui %sign3A_428 : i1 to i32
        %sign3A_430 = arith.constant 0 : i32
        %sign3A_431 = arith.cmpi slt, %sub3A_422, %sign3A_430 : i32
        %sign3A_432 = arith.extui %sign3A_431 : i1 to i32
        %sign3A_433 = arith.subi %sign3A_429, %sign3A_432 : i32
        %sign3A_434 = arith.constant 0 : i32
        %sign3A_435 = arith.cmpi sgt, %jit3A_425, %sign3A_434 : i32
        %sign3A_436 = arith.extui %sign3A_435 : i1 to i32
        %sign3A_437 = arith.constant 0 : i32
        %sign3A_438 = arith.cmpi slt, %jit3A_425, %sign3A_437 : i32
        %sign3A_439 = arith.extui %sign3A_438 : i1 to i32
        %sign3A_440 = arith.subi %sign3A_436, %sign3A_439 : i32
        %ne3A_441 = arith.cmpi ne, %sign3A_433, %sign3A_440 : i32
        %rem3A_442 = arith.remsi %sub3A_422, %jit3A_425 : i32
        %ne3A_443 = arith.constant 0 : i32
        %ne3A_444 = arith.cmpi ne, %rem3A_442, %ne3A_443 : i32
        %and3A_445 = arith.andi %ne3A_441, %ne3A_444 : i1
        %sub3A_446 = arith.constant 1 : i32
        %sub3A_447 = arith.subi %div3A_426, %sub3A_446 : i32
        %select_n3A_448 = arith.select %and3A_445, %sub3A_447, %div3A_426 : i32
        %add3A_449 = arith.addi %mul3A_424, %select_n3A_448 : i32
        %jit3A_450 = arith.constant 16 : i32
        %eq3A_451 = arith.constant 0 : i32
        %eq3A_452 = arith.cmpi eq, %jit3A_450, %eq3A_451 : i32
        %jit3A_453 = arith.constant 1 : i32
        %select_n3A_454 = arith.select %eq3A_452, %jit3A_453, %jit3A_450 : i32
        %rem3A_455 = arith.remsi %sub3A_422, %select_n3A_454 : i32
        %ne3A_456 = arith.constant 0 : i32
        %ne3A_457 = arith.cmpi ne, %rem3A_455, %ne3A_456 : i32
        %lt3A_458 = arith.constant 0 : i32
        %lt3A_459 = arith.cmpi slt, %rem3A_455, %lt3A_458 : i32
        %lt3A_460 = arith.constant 0 : i32
        %lt3A_461 = arith.cmpi slt, %select_n3A_454, %lt3A_460 : i32
        %ne3A_462 = arith.xori %lt3A_459, %lt3A_461 : i1
        %and3A_463 = arith.andi %ne3A_462, %ne3A_457 : i1
        %add3A_464 = arith.addi %rem3A_455, %select_n3A_454 : i32
        %select_n3A_465 = arith.select %and3A_463, %add3A_464, %rem3A_455 : i32
        %mul3A_466 = arith.constant 16 : i32
        %mul3A_467 = arith.muli %select_n3A_465, %mul3A_466 : i32
        %dma_wait3A_468 = arith.constant 0 : i32
        %dma_wait3A_469 = arith.constant 0 : i32
        %dma_wait3A_470 = arith.constant 0 : i32
        %dma_wait3A_471 = arith.constant 0 : i32
        %dma_wait3A_472 = tpu.memref_slice %arg7[%cond3A, %dma_wait3A_468, %dma_wait3A_469, %dma_wait3A_470, %dma_wait3A_471] : memref<2x16x2x8x128xf32, #tpu.memory_space<vmem>> -> memref<1x16x2x8x128xf32, #tpu.memory_space<vmem>>
        %dma_wait3A_473 = tpu.memref_squeeze %dma_wait3A_472 : memref<1x16x2x8x128xf32, #tpu.memory_space<vmem>> -> memref<16x2x8x128xf32, #tpu.memory_space<vmem>>
        %dma_wait3A_474 = arith.constant 0 : i32
        %dma_wait3A_475 = arith.constant 0 : i32
        %dma_wait3A_476 = arith.constant 0 : i32
        %dma_wait3A_477 = tpu.memref_slice %arg4[%add3A_449, %mul3A_467, %dma_wait3A_474, %dma_wait3A_475, %dma_wait3A_476] : memref<64x256x2x8x128xf32, #tpu.memory_space<hbm>> -> memref<1x16x2x8x128xf32, #tpu.memory_space<hbm>>
        %dma_wait3A_478 = tpu.memref_squeeze %dma_wait3A_477 : memref<1x16x2x8x128xf32, #tpu.memory_space<hbm>> -> memref<16x2x8x128xf32, #tpu.memory_space<hbm>>
        %dma_wait3A_479 = arith.constant 0 : i32
        %dma_wait3A_480 = arith.constant 0 : i32
        %dma_wait3A_481 = arith.constant 0 : i32
        %dma_wait3A_482 = tpu.memref_slice %arg4[%add3A_449, %mul3A_467, %dma_wait3A_479, %dma_wait3A_480, %dma_wait3A_481] : memref<64x256x2x8x128xf32, #tpu.memory_space<hbm>> -> memref<1x16x2x8x128xf32, #tpu.memory_space<hbm>>
        %dma_wait3A_483 = tpu.memref_squeeze %dma_wait3A_482 : memref<1x16x2x8x128xf32, #tpu.memory_space<hbm>> -> memref<16x2x8x128xf32, #tpu.memory_space<hbm>>
        %dma_wait3A_484 = arith.constant 0 : i32
        %dma_wait3A_485 = arith.constant 0 : i32
        %dma_wait3A_486 = arith.constant 0 : i32
        %dma_wait3A_487 = arith.constant 0 : i32
        %dma_wait3A_488 = tpu.memref_slice %arg7[%cond3A, %dma_wait3A_484, %dma_wait3A_485, %dma_wait3A_486, %dma_wait3A_487] : memref<2x16x2x8x128xf32, #tpu.memory_space<vmem>> -> memref<1x16x2x8x128xf32, #tpu.memory_space<vmem>>
        %dma_wait3A_489 = tpu.memref_squeeze %dma_wait3A_488 : memref<1x16x2x8x128xf32, #tpu.memory_space<vmem>> -> memref<16x2x8x128xf32, #tpu.memory_space<vmem>>
        tpu.wait_dma2 semaphore(%arg10 : memref<!tpu.dma_semaphore, #tpu.memory_space<semaphore_mem>>) src(%dma_wait3A_489 : memref<16x2x8x128xf32, #tpu.memory_space<vmem>>) dst(%dma_wait3A_483 : memref<16x2x8x128xf32, #tpu.memory_space<hbm>>)
      } else {
      }
      %parallel_loop3A = arith.constant 0 : i32
      %parallel_loop3A_186 = arith.constant 256 : i32
      %parallel_loop3A_187 = arith.constant 1 : i32
      %parallel_loop3A_188 = arith.constant 0 : i32
      %parallel_loop3A_189 = arith.constant 0 : i32
      scf.for %parallel_loop3A_421 = %parallel_loop3A to %parallel_loop3A_186 step %parallel_loop3A_187  : i32 {
        %parallel_loop3A_422 = arith.constant 7 : i32
        %parallel_loop3A_423 = arith.andi %parallel_loop3A_421, %parallel_loop3A_422 : i32
        %parallel_loop3A_424 = arith.constant 3 : i32
        %parallel_loop3A_425 = arith.shrsi %parallel_loop3A_421, %parallel_loop3A_424 : i32
        %parallel_loop3A_426 = arith.constant 1 : i32
        %parallel_loop3A_427 = arith.andi %parallel_loop3A_425, %parallel_loop3A_426 : i32
        %parallel_loop3A_428 = arith.constant 4 : i32
        %parallel_loop3A_429 = arith.shrsi %parallel_loop3A_421, %parallel_loop3A_428 : i32
        %parallel_loop3A_430 = arith.constant 7 : i32
        %parallel_loop3A_431 = arith.andi %parallel_loop3A_429, %parallel_loop3A_430 : i32
        %parallel_loop3A_432 = arith.constant 7 : i32
        %parallel_loop3A_433 = arith.shrsi %parallel_loop3A_421, %parallel_loop3A_432 : i32
        %parallel_loop3A_434 = arith.constant 16 : i32
        %parallel_loop3A_435 = arith.muli %parallel_loop3A_423, %parallel_loop3A_434 : i32
        %parallel_loop3A_436 = arith.constant 0 : i32
        %parallel_loop3A_437 = arith.constant 0 : i32
        %parallel_loop3A_438 = arith.constant 0 : i32
        %parallel_loop3A_439 = arith.constant 0 : i32
        %parallel_loop3A_440 = tpu.memref_slice %arg6[%parallel_loop3A_188, %parallel_loop3A_436, %parallel_loop3A_437, %parallel_loop3A_438, %parallel_loop3A_439] : memref<2x2x2x8x128xi32, #tpu.memory_space<vmem>> -> memref<1x2x2x8x128xi32, #tpu.memory_space<vmem>>
        %parallel_loop3A_441 = tpu.memref_squeeze %parallel_loop3A_440 : memref<1x2x2x8x128xi32, #tpu.memory_space<vmem>> -> memref<2x2x8x128xi32, #tpu.memory_space<vmem>>
        %parallel_loop3A_442 = arith.index_cast %parallel_loop3A_433 : i32 to index
        %parallel_loop3A_443 = arith.index_cast %parallel_loop3A_427 : i32 to index
        %parallel_loop3A_444 = arith.index_cast %parallel_loop3A_431 : i32 to index
        %parallel_loop3A_445 = arith.index_cast %parallel_loop3A_435 : i32 to index
        %parallel_loop3A_446 = tpu.vector_load %parallel_loop3A_441[%parallel_loop3A_442, %parallel_loop3A_443, %parallel_loop3A_444, %parallel_loop3A_445] {strides = array<i32>} : memref<2x2x8x128xi32, #tpu.memory_space<vmem>>, vector<16xi32>,
        %parallel_loop3A_447 = arith.constant -1 : i32
        %parallel_loop3A_448 = vector.broadcast %parallel_loop3A_447 : i32 to vector<16xi32>
        %parallel_loop3A_449 = arith.maxsi %parallel_loop3A_446, %parallel_loop3A_448 : vector<16xi32>
        %parallel_loop3A_450 = arith.constant 100 : i32
        %parallel_loop3A_451 = vector.broadcast %parallel_loop3A_450 : i32 to vector<16xi32>
        %parallel_loop3A_452 = arith.minsi %parallel_loop3A_449, %parallel_loop3A_451 : vector<16xi32>
        %parallel_loop3A_453 = arith.constant 1 : i32
        %parallel_loop3A_454 = vector.broadcast %parallel_loop3A_453 : i32 to vector<16xi32>
        %parallel_loop3A_455 = arith.addi %parallel_loop3A_452, %parallel_loop3A_454 : vector<16xi32>
        %parallel_loop3A_456 = arith.constant 128 : i32
        %parallel_loop3A_457 = vector.broadcast %parallel_loop3A_456 : i32 to vector<16xi32>
        %parallel_loop3A_458 = arith.muli %parallel_loop3A_455, %parallel_loop3A_457 : vector<16xi32>
        %parallel_loop3A_459 = arith.addi %parallel_loop3A_458, %iota3A : vector<16xi32>
        %parallel_loop3A_460 = arith.constant 8 : i32
        %parallel_loop3A_461 = arith.muli %parallel_loop3A_433, %parallel_loop3A_460 : i32
        %parallel_loop3A_462 = arith.addi %parallel_loop3A_461, %parallel_loop3A_431 : i32
        %parallel_loop3A_463 = arith.constant 0 : i32
        %parallel_loop3A_464 = vector.broadcast %parallel_loop3A_463 : i32 to vector<16xi32>
        %parallel_loop3A_465 = arith.addi %parallel_loop3A_459, %parallel_loop3A_464 : vector<16xi32>
        %parallel_loop3A_466 = tpu.vector_load_idx %arg5[%parallel_loop3A_465] : memref<13056xf32, #tpu.memory_space<vmem>>[vector<16xi32>], vector<16xf32>,
        %parallel_loop3A_467 = arith.constant 0 : i32
        %parallel_loop3A_468 = arith.constant 0 : i32
        %parallel_loop3A_469 = arith.constant 0 : i32
        %parallel_loop3A_470 = arith.constant 0 : i32
        %parallel_loop3A_471 = arith.constant 0 : i32
        %parallel_loop3A_472 = tpu.memref_slice %arg7[%parallel_loop3A_189, %parallel_loop3A_468, %parallel_loop3A_469, %parallel_loop3A_470, %parallel_loop3A_471] : memref<2x16x2x8x128xf32, #tpu.memory_space<vmem>> -> memref<1x16x2x8x128xf32, #tpu.memory_space<vmem>>
        %parallel_loop3A_473 = tpu.memref_squeeze %parallel_loop3A_472 : memref<1x16x2x8x128xf32, #tpu.memory_space<vmem>> -> memref<16x2x8x128xf32, #tpu.memory_space<vmem>>
        %parallel_loop3A_474 = arith.index_cast %parallel_loop3A_462 : i32 to index
        %parallel_loop3A_475 = arith.index_cast %parallel_loop3A_427 : i32 to index
        %parallel_loop3A_476 = arith.index_cast %parallel_loop3A_467 : i32 to index
        %parallel_loop3A_477 = arith.index_cast %parallel_loop3A_435 : i32 to index
        %parallel_loop3A_478 = tpu.vector_load %parallel_loop3A_473[%parallel_loop3A_474, %parallel_loop3A_475, %parallel_loop3A_476, %parallel_loop3A_477] {strides = array<i32>} : memref<16x2x8x128xf32, #tpu.memory_space<vmem>>, vector<16xf32>,
        tpu.vector_store %parallel_loop3A_473[%parallel_loop3A_474, %parallel_loop3A_475, %parallel_loop3A_476, %parallel_loop3A_477], %parallel_loop3A_466 {strides = array<i32>} : memref<16x2x8x128xf32, #tpu.memory_space<vmem>>, vector<16xf32>,
        %parallel_loop3A_479 = arith.constant 16 : i32
        %parallel_loop3A_480 = vector.broadcast %parallel_loop3A_479 : i32 to vector<16xi32>
        %parallel_loop3A_481 = arith.addi %parallel_loop3A_459, %parallel_loop3A_480 : vector<16xi32>
        %parallel_loop3A_482 = tpu.vector_load_idx %arg5[%parallel_loop3A_481] : memref<13056xf32, #tpu.memory_space<vmem>>[vector<16xi32>], vector<16xf32>,
        %parallel_loop3A_483 = arith.constant 1 : i32
        %parallel_loop3A_484 = arith.constant 0 : i32
        %parallel_loop3A_485 = arith.constant 0 : i32
        %parallel_loop3A_486 = arith.constant 0 : i32
        %parallel_loop3A_487 = arith.constant 0 : i32
        %parallel_loop3A_488 = tpu.memref_slice %arg7[%parallel_loop3A_189, %parallel_loop3A_484, %parallel_loop3A_485, %parallel_loop3A_486, %parallel_loop3A_487] : memref<2x16x2x8x128xf32, #tpu.memory_space<vmem>> -> memref<1x16x2x8x128xf32, #tpu.memory_space<vmem>>
        %parallel_loop3A_489 = tpu.memref_squeeze %parallel_loop3A_488 : memref<1x16x2x8x128xf32, #tpu.memory_space<vmem>> -> memref<16x2x8x128xf32, #tpu.memory_space<vmem>>
        %parallel_loop3A_490 = arith.index_cast %parallel_loop3A_462 : i32 to index
        %parallel_loop3A_491 = arith.index_cast %parallel_loop3A_427 : i32 to index
        %parallel_loop3A_492 = arith.index_cast %parallel_loop3A_483 : i32 to index
        %parallel_loop3A_493 = arith.index_cast %parallel_loop3A_435 : i32 to index
        %parallel_loop3A_494 = tpu.vector_load %parallel_loop3A_489[%parallel_loop3A_490, %parallel_loop3A_491, %parallel_loop3A_492, %parallel_loop3A_493] {strides = array<i32>} : memref<16x2x8x128xf32, #tpu.memory_space<vmem>>, vector<16xf32>,
        tpu.vector_store %parallel_loop3A_489[%parallel_loop3A_490, %parallel_loop3A_491, %parallel_loop3A_492, %parallel_loop3A_493], %parallel_loop3A_482 {strides = array<i32>} : memref<16x2x8x128xf32, #tpu.memory_space<vmem>>, vector<16xf32>,
        %parallel_loop3A_495 = arith.constant 32 : i32
        %parallel_loop3A_496 = vector.broadcast %parallel_loop3A_495 : i32 to vector<16xi32>
        %parallel_loop3A_497 = arith.addi %parallel_loop3A_459, %parallel_loop3A_496 : vector<16xi32>
        %parallel_loop3A_498 = tpu.vector_load_idx %arg5[%parallel_loop3A_497] : memref<13056xf32, #tpu.memory_space<vmem>>[vector<16xi32>], vector<16xf32>,
        %parallel_loop3A_499 = arith.constant 2 : i32
        %parallel_loop3A_500 = arith.constant 0 : i32
        %parallel_loop3A_501 = arith.constant 0 : i32
        %parallel_loop3A_502 = arith.constant 0 : i32
        %parallel_loop3A_503 = arith.constant 0 : i32
        %parallel_loop3A_504 = tpu.memref_slice %arg7[%parallel_loop3A_189, %parallel_loop3A_500, %parallel_loop3A_501, %parallel_loop3A_502, %parallel_loop3A_503] : memref<2x16x2x8x128xf32, #tpu.memory_space<vmem>> -> memref<1x16x2x8x128xf32, #tpu.memory_space<vmem>>
        %parallel_loop3A_505 = tpu.memref_squeeze %parallel_loop3A_504 : memref<1x16x2x8x128xf32, #tpu.memory_space<vmem>> -> memref<16x2x8x128xf32, #tpu.memory_space<vmem>>
        %parallel_loop3A_506 = arith.index_cast %parallel_loop3A_462 : i32 to index
        %parallel_loop3A_507 = arith.index_cast %parallel_loop3A_427 : i32 to index
        %parallel_loop3A_508 = arith.index_cast %parallel_loop3A_499 : i32 to index
        %parallel_loop3A_509 = arith.index_cast %parallel_loop3A_435 : i32 to index
        %parallel_loop3A_510 = tpu.vector_load %parallel_loop3A_505[%parallel_loop3A_506, %parallel_loop3A_507, %parallel_loop3A_508, %parallel_loop3A_509] {strides = array<i32>} : memref<16x2x8x128xf32, #tpu.memory_space<vmem>>, vector<16xf32>,
        tpu.vector_store %parallel_loop3A_505[%parallel_loop3A_506, %parallel_loop3A_507, %parallel_loop3A_508, %parallel_loop3A_509], %parallel_loop3A_498 {strides = array<i32>} : memref<16x2x8x128xf32, #tpu.memory_space<vmem>>, vector<16xf32>,
        %parallel_loop3A_511 = arith.constant 48 : i32
        %parallel_loop3A_512 = vector.broadcast %parallel_loop3A_511 : i32 to vector<16xi32>
        %parallel_loop3A_513 = arith.addi %parallel_loop3A_459, %parallel_loop3A_512 : vector<16xi32>
        %parallel_loop3A_514 = tpu.vector_load_idx %arg5[%parallel_loop3A_513] : memref<13056xf32, #tpu.memory_space<vmem>>[vector<16xi32>], vector<16xf32>,
        %parallel_loop3A_515 = arith.constant 3 : i32
        %parallel_loop3A_516 = arith.constant 0 : i32
        %parallel_loop3A_517 = arith.constant 0 : i32
        %parallel_loop3A_518 = arith.constant 0 : i32
        %parallel_loop3A_519 = arith.constant 0 : i32
        %parallel_loop3A_520 = tpu.memref_slice %arg7[%parallel_loop3A_189, %parallel_loop3A_516, %parallel_loop3A_517, %parallel_loop3A_518, %parallel_loop3A_519] : memref<2x16x2x8x128xf32, #tpu.memory_space<vmem>> -> memref<1x16x2x8x128xf32, #tpu.memory_space<vmem>>
        %parallel_loop3A_521 = tpu.memref_squeeze %parallel_loop3A_520 : memref<1x16x2x8x128xf32, #tpu.memory_space<vmem>> -> memref<16x2x8x128xf32, #tpu.memory_space<vmem>>
        %parallel_loop3A_522 = arith.index_cast %parallel_loop3A_462 : i32 to index
        %parallel_loop3A_523 = arith.index_cast %parallel_loop3A_427 : i32 to index
        %parallel_loop3A_524 = arith.index_cast %parallel_loop3A_515 : i32 to index
        %parallel_loop3A_525 = arith.index_cast %parallel_loop3A_435 : i32 to index
        %parallel_loop3A_526 = tpu.vector_load %parallel_loop3A_521[%parallel_loop3A_522, %parallel_loop3A_523, %parallel_loop3A_524, %parallel_loop3A_525] {strides = array<i32>} : memref<16x2x8x128xf32, #tpu.memory_space<vmem>>, vector<16xf32>,
        tpu.vector_store %parallel_loop3A_521[%parallel_loop3A_522, %parallel_loop3A_523, %parallel_loop3A_524, %parallel_loop3A_525], %parallel_loop3A_514 {strides = array<i32>} : memref<16x2x8x128xf32, #tpu.memory_space<vmem>>, vector<16xf32>,
        %parallel_loop3A_527 = arith.constant 64 : i32
        %parallel_loop3A_528 = vector.broadcast %parallel_loop3A_527 : i32 to vector<16xi32>
        %parallel_loop3A_529 = arith.addi %parallel_loop3A_459, %parallel_loop3A_528 : vector<16xi32>
        %parallel_loop3A_530 = tpu.vector_load_idx %arg5[%parallel_loop3A_529] : memref<13056xf32, #tpu.memory_space<vmem>>[vector<16xi32>], vector<16xf32>,
        %parallel_loop3A_531 = arith.constant 4 : i32
        %parallel_loop3A_532 = arith.constant 0 : i32
        %parallel_loop3A_533 = arith.constant 0 : i32
        %parallel_loop3A_534 = arith.constant 0 : i32
        %parallel_loop3A_535 = arith.constant 0 : i32
        %parallel_loop3A_536 = tpu.memref_slice %arg7[%parallel_loop3A_189, %parallel_loop3A_532, %parallel_loop3A_533, %parallel_loop3A_534, %parallel_loop3A_535] : memref<2x16x2x8x128xf32, #tpu.memory_space<vmem>> -> memref<1x16x2x8x128xf32, #tpu.memory_space<vmem>>
        %parallel_loop3A_537 = tpu.memref_squeeze %parallel_loop3A_536 : memref<1x16x2x8x128xf32, #tpu.memory_space<vmem>> -> memref<16x2x8x128xf32, #tpu.memory_space<vmem>>
        %parallel_loop3A_538 = arith.index_cast %parallel_loop3A_462 : i32 to index
        %parallel_loop3A_539 = arith.index_cast %parallel_loop3A_427 : i32 to index
        %parallel_loop3A_540 = arith.index_cast %parallel_loop3A_531 : i32 to index
        %parallel_loop3A_541 = arith.index_cast %parallel_loop3A_435 : i32 to index
        %parallel_loop3A_542 = tpu.vector_load %parallel_loop3A_537[%parallel_loop3A_538, %parallel_loop3A_539, %parallel_loop3A_540, %parallel_loop3A_541] {strides = array<i32>} : memref<16x2x8x128xf32, #tpu.memory_space<vmem>>, vector<16xf32>,
        tpu.vector_store %parallel_loop3A_537[%parallel_loop3A_538, %parallel_loop3A_539, %parallel_loop3A_540, %parallel_loop3A_541], %parallel_loop3A_530 {strides = array<i32>} : memref<16x2x8x128xf32, #tpu.memory_space<vmem>>, vector<16xf32>,
        %parallel_loop3A_543 = arith.constant 80 : i32
        %parallel_loop3A_544 = vector.broadcast %parallel_loop3A_543 : i32 to vector<16xi32>
        %parallel_loop3A_545 = arith.addi %parallel_loop3A_459, %parallel_loop3A_544 : vector<16xi32>
        %parallel_loop3A_546 = tpu.vector_load_idx %arg5[%parallel_loop3A_545] : memref<13056xf32, #tpu.memory_space<vmem>>[vector<16xi32>], vector<16xf32>,
        %parallel_loop3A_547 = arith.constant 5 : i32
        %parallel_loop3A_548 = arith.constant 0 : i32
        %parallel_loop3A_549 = arith.constant 0 : i32
        %parallel_loop3A_550 = arith.constant 0 : i32
        %parallel_loop3A_551 = arith.constant 0 : i32
        %parallel_loop3A_552 = tpu.memref_slice %arg7[%parallel_loop3A_189, %parallel_loop3A_548, %parallel_loop3A_549, %parallel_loop3A_550, %parallel_loop3A_551] : memref<2x16x2x8x128xf32, #tpu.memory_space<vmem>> -> memref<1x16x2x8x128xf32, #tpu.memory_space<vmem>>
        %parallel_loop3A_553 = tpu.memref_squeeze %parallel_loop3A_552 : memref<1x16x2x8x128xf32, #tpu.memory_space<vmem>> -> memref<16x2x8x128xf32, #tpu.memory_space<vmem>>
        %parallel_loop3A_554 = arith.index_cast %parallel_loop3A_462 : i32 to index
        %parallel_loop3A_555 = arith.index_cast %parallel_loop3A_427 : i32 to index
        %parallel_loop3A_556 = arith.index_cast %parallel_loop3A_547 : i32 to index
        %parallel_loop3A_557 = arith.index_cast %parallel_loop3A_435 : i32 to index
        %parallel_loop3A_558 = tpu.vector_load %parallel_loop3A_553[%parallel_loop3A_554, %parallel_loop3A_555, %parallel_loop3A_556, %parallel_loop3A_557] {strides = array<i32>} : memref<16x2x8x128xf32, #tpu.memory_space<vmem>>, vector<16xf32>,
        tpu.vector_store %parallel_loop3A_553[%parallel_loop3A_554, %parallel_loop3A_555, %parallel_loop3A_556, %parallel_loop3A_557], %parallel_loop3A_546 {strides = array<i32>} : memref<16x2x8x128xf32, #tpu.memory_space<vmem>>, vector<16xf32>,
        %parallel_loop3A_559 = arith.constant 96 : i32
        %parallel_loop3A_560 = vector.broadcast %parallel_loop3A_559 : i32 to vector<16xi32>
        %parallel_loop3A_561 = arith.addi %parallel_loop3A_459, %parallel_loop3A_560 : vector<16xi32>
        %parallel_loop3A_562 = tpu.vector_load_idx %arg5[%parallel_loop3A_561] : memref<13056xf32, #tpu.memory_space<vmem>>[vector<16xi32>], vector<16xf32>,
        %parallel_loop3A_563 = arith.constant 6 : i32
        %parallel_loop3A_564 = arith.constant 0 : i32
        %parallel_loop3A_565 = arith.constant 0 : i32
        %parallel_loop3A_566 = arith.constant 0 : i32
        %parallel_loop3A_567 = arith.constant 0 : i32
        %parallel_loop3A_568 = tpu.memref_slice %arg7[%parallel_loop3A_189, %parallel_loop3A_564, %parallel_loop3A_565, %parallel_loop3A_566, %parallel_loop3A_567] : memref<2x16x2x8x128xf32, #tpu.memory_space<vmem>> -> memref<1x16x2x8x128xf32, #tpu.memory_space<vmem>>
        %parallel_loop3A_569 = tpu.memref_squeeze %parallel_loop3A_568 : memref<1x16x2x8x128xf32, #tpu.memory_space<vmem>> -> memref<16x2x8x128xf32, #tpu.memory_space<vmem>>
        %parallel_loop3A_570 = arith.index_cast %parallel_loop3A_462 : i32 to index
        %parallel_loop3A_571 = arith.index_cast %parallel_loop3A_427 : i32 to index
        %parallel_loop3A_572 = arith.index_cast %parallel_loop3A_563 : i32 to index
        %parallel_loop3A_573 = arith.index_cast %parallel_loop3A_435 : i32 to index
        %parallel_loop3A_574 = tpu.vector_load %parallel_loop3A_569[%parallel_loop3A_570, %parallel_loop3A_571, %parallel_loop3A_572, %parallel_loop3A_573] {strides = array<i32>} : memref<16x2x8x128xf32, #tpu.memory_space<vmem>>, vector<16xf32>,
        tpu.vector_store %parallel_loop3A_569[%parallel_loop3A_570, %parallel_loop3A_571, %parallel_loop3A_572, %parallel_loop3A_573], %parallel_loop3A_562 {strides = array<i32>} : memref<16x2x8x128xf32, #tpu.memory_space<vmem>>, vector<16xf32>,
        %parallel_loop3A_575 = arith.constant 112 : i32
        %parallel_loop3A_576 = vector.broadcast %parallel_loop3A_575 : i32 to vector<16xi32>
        %parallel_loop3A_577 = arith.addi %parallel_loop3A_459, %parallel_loop3A_576 : vector<16xi32>
        %parallel_loop3A_578 = tpu.vector_load_idx %arg5[%parallel_loop3A_577] : memref<13056xf32, #tpu.memory_space<vmem>>[vector<16xi32>], vector<16xf32>,
        %parallel_loop3A_579 = arith.constant 7 : i32
        %parallel_loop3A_580 = arith.constant 0 : i32
        %parallel_loop3A_581 = arith.constant 0 : i32
        %parallel_loop3A_582 = arith.constant 0 : i32
        %parallel_loop3A_583 = arith.constant 0 : i32
        %parallel_loop3A_584 = tpu.memref_slice %arg7[%parallel_loop3A_189, %parallel_loop3A_580, %parallel_loop3A_581, %parallel_loop3A_582, %parallel_loop3A_583] : memref<2x16x2x8x128xf32, #tpu.memory_space<vmem>> -> memref<1x16x2x8x128xf32, #tpu.memory_space<vmem>>
        %parallel_loop3A_585 = tpu.memref_squeeze %parallel_loop3A_584 : memref<1x16x2x8x128xf32, #tpu.memory_space<vmem>> -> memref<16x2x8x128xf32, #tpu.memory_space<vmem>>
        %parallel_loop3A_586 = arith.index_cast %parallel_loop3A_462 : i32 to index
        %parallel_loop3A_587 = arith.index_cast %parallel_loop3A_427 : i32 to index
        %parallel_loop3A_588 = arith.index_cast %parallel_loop3A_579 : i32 to index
        %parallel_loop3A_589 = arith.index_cast %parallel_loop3A_435 : i32 to index
        %parallel_loop3A_590 = tpu.vector_load %parallel_loop3A_585[%parallel_loop3A_586, %parallel_loop3A_587, %parallel_loop3A_588, %parallel_loop3A_589] {strides = array<i32>} : memref<16x2x8x128xf32, #tpu.memory_space<vmem>>, vector<16xf32>,
        tpu.vector_store %parallel_loop3A_585[%parallel_loop3A_586, %parallel_loop3A_587, %parallel_loop3A_588, %parallel_loop3A_589], %parallel_loop3A_578 {strides = array<i32>} : memref<16x2x8x128xf32, #tpu.memory_space<vmem>>, vector<16xf32>,
      } {sc.loop_unroll_factor = 4 : i64, sc.parallel_access}
      %mul3A_190 = arith.constant 2 : i32
      %mul3A_191 = arith.muli %add3A, %mul3A_190 : i32
      %jit3A_192 = arith.constant 16 : i32
      %div3A_193 = arith.divsi %add3A_124, %jit3A_192 : i32
      %sign3A_194 = arith.constant 0 : i32
      %sign3A_195 = arith.cmpi sgt, %add3A_124, %sign3A_194 : i32
      %sign3A_196 = arith.extui %sign3A_195 : i1 to i32
      %sign3A_197 = arith.constant 0 : i32
      %sign3A_198 = arith.cmpi slt, %add3A_124, %sign3A_197 : i32
      %sign3A_199 = arith.extui %sign3A_198 : i1 to i32
      %sign3A_200 = arith.subi %sign3A_196, %sign3A_199 : i32
      %sign3A_201 = arith.constant 0 : i32
      %sign3A_202 = arith.cmpi sgt, %jit3A_192, %sign3A_201 : i32
      %sign3A_203 = arith.extui %sign3A_202 : i1 to i32
      %sign3A_204 = arith.constant 0 : i32
      %sign3A_205 = arith.cmpi slt, %jit3A_192, %sign3A_204 : i32
      %sign3A_206 = arith.extui %sign3A_205 : i1 to i32
      %sign3A_207 = arith.subi %sign3A_203, %sign3A_206 : i32
      %ne3A_208 = arith.cmpi ne, %sign3A_200, %sign3A_207 : i32
      %rem3A_209 = arith.remsi %add3A_124, %jit3A_192 : i32
      %ne3A_210 = arith.constant 0 : i32
      %ne3A_211 = arith.cmpi ne, %rem3A_209, %ne3A_210 : i32
      %and3A_212 = arith.andi %ne3A_208, %ne3A_211 : i1
      %sub3A_213 = arith.constant 1 : i32
      %sub3A_214 = arith.subi %div3A_193, %sub3A_213 : i32
      %select_n3A_215 = arith.select %and3A_212, %sub3A_214, %div3A_193 : i32
      %add3A_216 = arith.addi %mul3A_191, %select_n3A_215 : i32
      %jit3A_217 = arith.constant 16 : i32
      %eq3A_218 = arith.constant 0 : i32
      %eq3A_219 = arith.cmpi eq, %jit3A_217, %eq3A_218 : i32
      %jit3A_220 = arith.constant 1 : i32
      %select_n3A_221 = arith.select %eq3A_219, %jit3A_220, %jit3A_217 : i32
      %rem3A_222 = arith.remsi %add3A_124, %select_n3A_221 : i32
      %ne3A_223 = arith.constant 0 : i32
      %ne3A_224 = arith.cmpi ne, %rem3A_222, %ne3A_223 : i32
      %lt3A_225 = arith.constant 0 : i32
      %lt3A_226 = arith.cmpi slt, %rem3A_222, %lt3A_225 : i32
      %lt3A_227 = arith.constant 0 : i32
      %lt3A_228 = arith.cmpi slt, %select_n3A_221, %lt3A_227 : i32
      %ne3A_229 = arith.xori %lt3A_226, %lt3A_228 : i1
      %and3A_230 = arith.andi %ne3A_229, %ne3A_224 : i1
      %add3A_231 = arith.addi %rem3A_222, %select_n3A_221 : i32
      %select_n3A_232 = arith.select %and3A_230, %add3A_231, %rem3A_222 : i32
      %mul3A_233 = arith.constant 16 : i32
      %mul3A_234 = arith.muli %select_n3A_232, %mul3A_233 : i32
      %dma_start3A_235 = arith.constant 0 : i32
      %dma_start3A_236 = arith.constant 0 : i32
      %dma_start3A_237 = arith.constant 0 : i32
      %dma_start3A_238 = arith.constant 0 : i32
      %dma_start3A_239 = arith.constant 0 : i32
      %dma_start3A_240 = tpu.memref_slice %arg7[%dma_start3A_235, %dma_start3A_236, %dma_start3A_237, %dma_start3A_238, %dma_start3A_239] : memref<2x16x2x8x128xf32, #tpu.memory_space<vmem>> -> memref<1x16x2x8x128xf32, #tpu.memory_space<vmem>>
      %dma_start3A_241 = tpu.memref_squeeze %dma_start3A_240 : memref<1x16x2x8x128xf32, #tpu.memory_space<vmem>> -> memref<16x2x8x128xf32, #tpu.memory_space<vmem>>
      %dma_start3A_242 = arith.constant 0 : i32
      %dma_start3A_243 = arith.constant 0 : i32
      %dma_start3A_244 = arith.constant 0 : i32
      %dma_start3A_245 = tpu.memref_slice %arg4[%add3A_216, %mul3A_234, %dma_start3A_242, %dma_start3A_243, %dma_start3A_244] : memref<64x256x2x8x128xf32, #tpu.memory_space<hbm>> -> memref<1x16x2x8x128xf32, #tpu.memory_space<hbm>>
      %dma_start3A_246 = tpu.memref_squeeze %dma_start3A_245 : memref<1x16x2x8x128xf32, #tpu.memory_space<hbm>> -> memref<16x2x8x128xf32, #tpu.memory_space<hbm>>
      %dma_start3A_247 = arith.constant 0 : i32
      %dma_start3A_248 = arith.constant 0 : i32
      %dma_start3A_249 = arith.constant 0 : i32
      %dma_start3A_250 = tpu.memref_slice %arg4[%add3A_216, %mul3A_234, %dma_start3A_247, %dma_start3A_248, %dma_start3A_249] : memref<64x256x2x8x128xf32, #tpu.memory_space<hbm>> -> memref<1x16x2x8x128xf32, #tpu.memory_space<hbm>>
      %dma_start3A_251 = tpu.memref_squeeze %dma_start3A_250 : memref<1x16x2x8x128xf32, #tpu.memory_space<hbm>> -> memref<16x2x8x128xf32, #tpu.memory_space<hbm>>
      %dma_start3A_252 = arith.constant 0 : i32
      %dma_start3A_253 = arith.constant 0 : i32
      %dma_start3A_254 = arith.constant 0 : i32
      %dma_start3A_255 = arith.constant 0 : i32
      %dma_start3A_256 = tpu.memref_slice %arg7[%dma_start3A_235, %dma_start3A_252, %dma_start3A_253, %dma_start3A_254, %dma_start3A_255] : memref<2x16x2x8x128xf32, #tpu.memory_space<vmem>> -> memref<1x16x2x8x128xf32, #tpu.memory_space<vmem>>
      %dma_start3A_257 = tpu.memref_squeeze %dma_start3A_256 : memref<1x16x2x8x128xf32, #tpu.memory_space<vmem>> -> memref<16x2x8x128xf32, #tpu.memory_space<vmem>>
      tpu.enqueue_dma source(%dma_start3A_257 : memref<16x2x8x128xf32, #tpu.memory_space<vmem>>) target(%dma_start3A_251 : memref<16x2x8x128xf32, #tpu.memory_space<hbm>>) target_semaphore(%arg10 : memref<!tpu.dma_semaphore, #tpu.memory_space<semaphore_mem>>)
      %add3A_258 = arith.constant 2 : i32
      %add3A_259 = arith.addi %add3A_124, %add3A_258 : i32
      %lt3A_260 = arith.constant 32 : i32
      %lt3A_261 = arith.cmpi slt, %add3A_259, %lt3A_260 : i32
      %convert_element_type3A_262 = arith.extui %lt3A_261 : i1 to i32
      %cond3A_263 = arith.constant 0 : i32
      %cond3A_264 = arith.cmpi ne, %convert_element_type3A_262, %cond3A_263 : i32
      scf.if %cond3A_264 {
        %add3A_421 = arith.constant 2 : i32
        %add3A_422 = arith.addi %add3A_124, %add3A_421 : i32
        %mul3A_423 = arith.constant 2 : i32
        %mul3A_424 = arith.muli %add3A, %mul3A_423 : i32
        %jit3A_425 = arith.constant 16 : i32
        %div3A_426 = arith.divsi %add3A_422, %jit3A_425 : i32
        %sign3A_427 = arith.constant 0 : i32
        %sign3A_428 = arith.cmpi sgt, %add3A_422, %sign3A_427 : i32
        %sign3A_429 = arith.extui %sign3A_428 : i1 to i32
        %sign3A_430 = arith.constant 0 : i32
        %sign3A_431 = arith.cmpi slt, %add3A_422, %sign3A_430 : i32
        %sign3A_432 = arith.extui %sign3A_431 : i1 to i32
        %sign3A_433 = arith.subi %sign3A_429, %sign3A_432 : i32
        %sign3A_434 = arith.constant 0 : i32
        %sign3A_435 = arith.cmpi sgt, %jit3A_425, %sign3A_434 : i32
        %sign3A_436 = arith.extui %sign3A_435 : i1 to i32
        %sign3A_437 = arith.constant 0 : i32
        %sign3A_438 = arith.cmpi slt, %jit3A_425, %sign3A_437 : i32
        %sign3A_439 = arith.extui %sign3A_438 : i1 to i32
        %sign3A_440 = arith.subi %sign3A_436, %sign3A_439 : i32
        %ne3A_441 = arith.cmpi ne, %sign3A_433, %sign3A_440 : i32
        %rem3A_442 = arith.remsi %add3A_422, %jit3A_425 : i32
        %ne3A_443 = arith.constant 0 : i32
        %ne3A_444 = arith.cmpi ne, %rem3A_442, %ne3A_443 : i32
        %and3A_445 = arith.andi %ne3A_441, %ne3A_444 : i1
        %sub3A_446 = arith.constant 1 : i32
        %sub3A_447 = arith.subi %div3A_426, %sub3A_446 : i32
        %select_n3A_448 = arith.select %and3A_445, %sub3A_447, %div3A_426 : i32
        %add3A_449 = arith.addi %mul3A_424, %select_n3A_448 : i32
        %jit3A_450 = arith.constant 16 : i32
        %eq3A_451 = arith.constant 0 : i32
        %eq3A_452 = arith.cmpi eq, %jit3A_450, %eq3A_451 : i32
        %jit3A_453 = arith.constant 1 : i32
        %select_n3A_454 = arith.select %eq3A_452, %jit3A_453, %jit3A_450 : i32
        %rem3A_455 = arith.remsi %add3A_422, %select_n3A_454 : i32
        %ne3A_456 = arith.constant 0 : i32
        %ne3A_457 = arith.cmpi ne, %rem3A_455, %ne3A_456 : i32
        %lt3A_458 = arith.constant 0 : i32
        %lt3A_459 = arith.cmpi slt, %rem3A_455, %lt3A_458 : i32
        %lt3A_460 = arith.constant 0 : i32
        %lt3A_461 = arith.cmpi slt, %select_n3A_454, %lt3A_460 : i32
        %ne3A_462 = arith.xori %lt3A_459, %lt3A_461 : i1
        %and3A_463 = arith.andi %ne3A_462, %ne3A_457 : i1
        %add3A_464 = arith.addi %rem3A_455, %select_n3A_454 : i32
        %select_n3A_465 = arith.select %and3A_463, %add3A_464, %rem3A_455 : i32
        %mul3A_466 = arith.constant 2 : i32
        %mul3A_467 = arith.muli %select_n3A_465, %mul3A_466 : i32
        %dma_start3A_468 = arith.constant 0 : i32
        %dma_start3A_469 = arith.constant 0 : i32
        %dma_start3A_470 = arith.constant 0 : i32
        %dma_start3A_471 = arith.constant 0 : i32
        %dma_start3A_472 = arith.constant 0 : i32
        %dma_start3A_473 = tpu.memref_slice %arg6[%dma_start3A_468, %dma_start3A_469, %dma_start3A_470, %dma_start3A_471, %dma_start3A_472] : memref<2x2x2x8x128xi32, #tpu.memory_space<vmem>> -> memref<1x2x2x8x128xi32, #tpu.memory_space<vmem>>
        %dma_start3A_474 = tpu.memref_squeeze %dma_start3A_473 : memref<1x2x2x8x128xi32, #tpu.memory_space<vmem>> -> memref<2x2x8x128xi32, #tpu.memory_space<vmem>>
        %dma_start3A_475 = arith.constant 0 : i32
        %dma_start3A_476 = arith.constant 0 : i32
        %dma_start3A_477 = arith.constant 0 : i32
        %dma_start3A_478 = tpu.memref_slice %arg2[%add3A_449, %mul3A_467, %dma_start3A_475, %dma_start3A_476, %dma_start3A_477] : memref<64x32x2x8x128xi32, #tpu.memory_space<hbm>> -> memref<1x2x2x8x128xi32, #tpu.memory_space<hbm>>
        %dma_start3A_479 = tpu.memref_squeeze %dma_start3A_478 : memref<1x2x2x8x128xi32, #tpu.memory_space<hbm>> -> memref<2x2x8x128xi32, #tpu.memory_space<hbm>>
        %dma_start3A_480 = arith.constant 0 : i32
        %dma_start3A_481 = arith.constant 0 : i32
        %dma_start3A_482 = arith.constant 0 : i32
        %dma_start3A_483 = arith.constant 0 : i32
        %dma_start3A_484 = tpu.memref_slice %arg6[%dma_start3A_468, %dma_start3A_480, %dma_start3A_481, %dma_start3A_482, %dma_start3A_483] : memref<2x2x2x8x128xi32, #tpu.memory_space<vmem>> -> memref<1x2x2x8x128xi32, #tpu.memory_space<vmem>>
        %dma_start3A_485 = tpu.memref_squeeze %dma_start3A_484 : memref<1x2x2x8x128xi32, #tpu.memory_space<vmem>> -> memref<2x2x8x128xi32, #tpu.memory_space<vmem>>
        %dma_start3A_486 = arith.constant 0 : i32
        %dma_start3A_487 = arith.constant 0 : i32
        %dma_start3A_488 = arith.constant 0 : i32
        %dma_start3A_489 = tpu.memref_slice %arg2[%add3A_449, %mul3A_467, %dma_start3A_486, %dma_start3A_487, %dma_start3A_488] : memref<64x32x2x8x128xi32, #tpu.memory_space<hbm>> -> memref<1x2x2x8x128xi32, #tpu.memory_space<hbm>>
        %dma_start3A_490 = tpu.memref_squeeze %dma_start3A_489 : memref<1x2x2x8x128xi32, #tpu.memory_space<hbm>> -> memref<2x2x8x128xi32, #tpu.memory_space<hbm>>
        tpu.enqueue_dma source(%dma_start3A_490 : memref<2x2x8x128xi32, #tpu.memory_space<hbm>>) target(%dma_start3A_485 : memref<2x2x8x128xi32, #tpu.memory_space<vmem>>) target_semaphore(%arg8 : memref<!tpu.dma_semaphore, #tpu.memory_space<semaphore_mem>>)
      } else {
      }
      %add3A_265 = arith.constant 1 : i32
      %add3A_266 = arith.addi %mul3A_122, %add3A_265 : i32
      %mul3A_267 = arith.constant 2 : i32
      %mul3A_268 = arith.muli %add3A, %mul3A_267 : i32
      %jit3A_269 = arith.constant 16 : i32
      %div3A_270 = arith.divsi %add3A_266, %jit3A_269 : i32
      %sign3A_271 = arith.constant 0 : i32
      %sign3A_272 = arith.cmpi sgt, %add3A_266, %sign3A_271 : i32
      %sign3A_273 = arith.extui %sign3A_272 : i1 to i32
      %sign3A_274 = arith.constant 0 : i32
      %sign3A_275 = arith.cmpi slt, %add3A_266, %sign3A_274 : i32
      %sign3A_276 = arith.extui %sign3A_275 : i1 to i32
      %sign3A_277 = arith.subi %sign3A_273, %sign3A_276 : i32
      %sign3A_278 = arith.constant 0 : i32
      %sign3A_279 = arith.cmpi sgt, %jit3A_269, %sign3A_278 : i32
      %sign3A_280 = arith.extui %sign3A_279 : i1 to i32
      %sign3A_281 = arith.constant 0 : i32
      %sign3A_282 = arith.cmpi slt, %jit3A_269, %sign3A_281 : i32
      %sign3A_283 = arith.extui %sign3A_282 : i1 to i32
      %sign3A_284 = arith.subi %sign3A_280, %sign3A_283 : i32
      %ne3A_285 = arith.cmpi ne, %sign3A_277, %sign3A_284 : i32
      %rem3A_286 = arith.remsi %add3A_266, %jit3A_269 : i32
      %ne3A_287 = arith.constant 0 : i32
      %ne3A_288 = arith.cmpi ne, %rem3A_286, %ne3A_287 : i32
      %and3A_289 = arith.andi %ne3A_285, %ne3A_288 : i1
      %sub3A_290 = arith.constant 1 : i32
      %sub3A_291 = arith.subi %div3A_270, %sub3A_290 : i32
      %select_n3A_292 = arith.select %and3A_289, %sub3A_291, %div3A_270 : i32
      %add3A_293 = arith.addi %mul3A_268, %select_n3A_292 : i32
      %jit3A_294 = arith.constant 16 : i32
      %eq3A_295 = arith.constant 0 : i32
      %eq3A_296 = arith.cmpi eq, %jit3A_294, %eq3A_295 : i32
      %jit3A_297 = arith.constant 1 : i32
      %select_n3A_298 = arith.select %eq3A_296, %jit3A_297, %jit3A_294 : i32
      %rem3A_299 = arith.remsi %add3A_266, %select_n3A_298 : i32
      %ne3A_300 = arith.constant 0 : i32
      %ne3A_301 = arith.cmpi ne, %rem3A_299, %ne3A_300 : i32
      %lt3A_302 = arith.constant 0 : i32
      %lt3A_303 = arith.cmpi slt, %rem3A_299, %lt3A_302 : i32
      %lt3A_304 = arith.constant 0 : i32
      %lt3A_305 = arith.cmpi slt, %select_n3A_298, %lt3A_304 : i32
      %ne3A_306 = arith.xori %lt3A_303, %lt3A_305 : i1
      %and3A_307 = arith.andi %ne3A_306, %ne3A_301 : i1
      %add3A_308 = arith.addi %rem3A_299, %select_n3A_298 : i32
      %select_n3A_309 = arith.select %and3A_307, %add3A_308, %rem3A_299 : i32
      %mul3A_310 = arith.constant 2 : i32
      %mul3A_311 = arith.muli %select_n3A_309, %mul3A_310 : i32
      %dma_wait3A_312 = arith.constant 1 : i32
      %dma_wait3A_313 = arith.constant 0 : i32
      %dma_wait3A_314 = arith.constant 0 : i32
      %dma_wait3A_315 = arith.constant 0 : i32
      %dma_wait3A_316 = arith.constant 0 : i32
      %dma_wait3A_317 = tpu.memref_slice %arg6[%dma_wait3A_312, %dma_wait3A_313, %dma_wait3A_314, %dma_wait3A_315, %dma_wait3A_316] : memref<2x2x2x8x128xi32, #tpu.memory_space<vmem>> -> memref<1x2x2x8x128xi32, #tpu.memory_space<vmem>>
      %dma_wait3A_318 = tpu.memref_squeeze %dma_wait3A_317 : memref<1x2x2x8x128xi32, #tpu.memory_space<vmem>> -> memref<2x2x8x128xi32, #tpu.memory_space<vmem>>
      %dma_wait3A_319 = arith.constant 0 : i32
      %dma_wait3A_320 = arith.constant 0 : i32
      %dma_wait3A_321 = arith.constant 0 : i32
      %dma_wait3A_322 = tpu.memref_slice %arg2[%add3A_293, %mul3A_311, %dma_wait3A_319, %dma_wait3A_320, %dma_wait3A_321] : memref<64x32x2x8x128xi32, #tpu.memory_space<hbm>> -> memref<1x2x2x8x128xi32, #tpu.memory_space<hbm>>
      %dma_wait3A_323 = tpu.memref_squeeze %dma_wait3A_322 : memref<1x2x2x8x128xi32, #tpu.memory_space<hbm>> -> memref<2x2x8x128xi32, #tpu.memory_space<hbm>>
      %dma_wait3A_324 = arith.constant 0 : i32
      %dma_wait3A_325 = arith.constant 0 : i32
      %dma_wait3A_326 = arith.constant 0 : i32
      %dma_wait3A_327 = arith.constant 0 : i32
      %dma_wait3A_328 = tpu.memref_slice %arg6[%dma_wait3A_312, %dma_wait3A_324, %dma_wait3A_325, %dma_wait3A_326, %dma_wait3A_327] : memref<2x2x2x8x128xi32, #tpu.memory_space<vmem>> -> memref<1x2x2x8x128xi32, #tpu.memory_space<vmem>>
      %dma_wait3A_329 = tpu.memref_squeeze %dma_wait3A_328 : memref<1x2x2x8x128xi32, #tpu.memory_space<vmem>> -> memref<2x2x8x128xi32, #tpu.memory_space<vmem>>
      %dma_wait3A_330 = arith.constant 0 : i32
      %dma_wait3A_331 = arith.constant 0 : i32
      %dma_wait3A_332 = arith.constant 0 : i32
      %dma_wait3A_333 = tpu.memref_slice %arg2[%add3A_293, %mul3A_311, %dma_wait3A_330, %dma_wait3A_331, %dma_wait3A_332] : memref<64x32x2x8x128xi32, #tpu.memory_space<hbm>> -> memref<1x2x2x8x128xi32, #tpu.memory_space<hbm>>
      %dma_wait3A_334 = tpu.memref_squeeze %dma_wait3A_333 : memref<1x2x2x8x128xi32, #tpu.memory_space<hbm>> -> memref<2x2x8x128xi32, #tpu.memory_space<hbm>>
      tpu.wait_dma2 semaphore(%arg9 : memref<!tpu.dma_semaphore, #tpu.memory_space<semaphore_mem>>) src(%dma_wait3A_334 : memref<2x2x8x128xi32, #tpu.memory_space<hbm>>) dst(%dma_wait3A_329 : memref<2x2x8x128xi32, #tpu.memory_space<vmem>>)
      %ge3A_335 = arith.constant 2 : i32
      %ge3A_336 = arith.cmpi sge, %add3A_266, %ge3A_335 : i32
      %convert_element_type3A_337 = arith.extui %ge3A_336 : i1 to i32
      %cond3A_338 = arith.constant 1 : i32
      %cond3A_339 = arith.constant 0 : i32
      %cond3A_340 = arith.cmpi ne, %convert_element_type3A_337, %cond3A_339 : i32
      scf.if %cond3A_340 {
        %sub3A_421 = arith.constant 2 : i32
        %sub3A_422 = arith.subi %add3A_266, %sub3A_421 : i32
        %mul3A_423 = arith.constant 2 : i32
        %mul3A_424 = arith.muli %add3A, %mul3A_423 : i32
        %jit3A_425 = arith.constant 16 : i32
        %div3A_426 = arith.divsi %sub3A_422, %jit3A_425 : i32
        %sign3A_427 = arith.constant 0 : i32
        %sign3A_428 = arith.cmpi sgt, %sub3A_422, %sign3A_427 : i32
        %sign3A_429 = arith.extui %sign3A_428 : i1 to i32
        %sign3A_430 = arith.constant 0 : i32
        %sign3A_431 = arith.cmpi slt, %sub3A_422, %sign3A_430 : i32
        %sign3A_432 = arith.extui %sign3A_431 : i1 to i32
        %sign3A_433 = arith.subi %sign3A_429, %sign3A_432 : i32
        %sign3A_434 = arith.constant 0 : i32
        %sign3A_435 = arith.cmpi sgt, %jit3A_425, %sign3A_434 : i32
        %sign3A_436 = arith.extui %sign3A_435 : i1 to i32
        %sign3A_437 = arith.constant 0 : i32
        %sign3A_438 = arith.cmpi slt, %jit3A_425, %sign3A_437 : i32
        %sign3A_439 = arith.extui %sign3A_438 : i1 to i32
        %sign3A_440 = arith.subi %sign3A_436, %sign3A_439 : i32
        %ne3A_441 = arith.cmpi ne, %sign3A_433, %sign3A_440 : i32
        %rem3A_442 = arith.remsi %sub3A_422, %jit3A_425 : i32
        %ne3A_443 = arith.constant 0 : i32
        %ne3A_444 = arith.cmpi ne, %rem3A_442, %ne3A_443 : i32
        %and3A_445 = arith.andi %ne3A_441, %ne3A_444 : i1
        %sub3A_446 = arith.constant 1 : i32
        %sub3A_447 = arith.subi %div3A_426, %sub3A_446 : i32
        %select_n3A_448 = arith.select %and3A_445, %sub3A_447, %div3A_426 : i32
        %add3A_449 = arith.addi %mul3A_424, %select_n3A_448 : i32
        %jit3A_450 = arith.constant 16 : i32
        %eq3A_451 = arith.constant 0 : i32
        %eq3A_452 = arith.cmpi eq, %jit3A_450, %eq3A_451 : i32
        %jit3A_453 = arith.constant 1 : i32
        %select_n3A_454 = arith.select %eq3A_452, %jit3A_453, %jit3A_450 : i32
        %rem3A_455 = arith.remsi %sub3A_422, %select_n3A_454 : i32
        %ne3A_456 = arith.constant 0 : i32
        %ne3A_457 = arith.cmpi ne, %rem3A_455, %ne3A_456 : i32
        %lt3A_458 = arith.constant 0 : i32
        %lt3A_459 = arith.cmpi slt, %rem3A_455, %lt3A_458 : i32
        %lt3A_460 = arith.constant 0 : i32
        %lt3A_461 = arith.cmpi slt, %select_n3A_454, %lt3A_460 : i32
        %ne3A_462 = arith.xori %lt3A_459, %lt3A_461 : i1
        %and3A_463 = arith.andi %ne3A_462, %ne3A_457 : i1
        %add3A_464 = arith.addi %rem3A_455, %select_n3A_454 : i32
        %select_n3A_465 = arith.select %and3A_463, %add3A_464, %rem3A_455 : i32
        %mul3A_466 = arith.constant 16 : i32
        %mul3A_467 = arith.muli %select_n3A_465, %mul3A_466 : i32
        %dma_wait3A_468 = arith.constant 0 : i32
        %dma_wait3A_469 = arith.constant 0 : i32
        %dma_wait3A_470 = arith.constant 0 : i32
        %dma_wait3A_471 = arith.constant 0 : i32
        %dma_wait3A_472 = tpu.memref_slice %arg7[%cond3A_338, %dma_wait3A_468, %dma_wait3A_469, %dma_wait3A_470, %dma_wait3A_471] : memref<2x16x2x8x128xf32, #tpu.memory_space<vmem>> -> memref<1x16x2x8x128xf32, #tpu.memory_space<vmem>>
        %dma_wait3A_473 = tpu.memref_squeeze %dma_wait3A_472 : memref<1x16x2x8x128xf32, #tpu.memory_space<vmem>> -> memref<16x2x8x128xf32, #tpu.memory_space<vmem>>
        %dma_wait3A_474 = arith.constant 0 : i32
        %dma_wait3A_475 = arith.constant 0 : i32
        %dma_wait3A_476 = arith.constant 0 : i32
        %dma_wait3A_477 = tpu.memref_slice %arg4[%add3A_449, %mul3A_467, %dma_wait3A_474, %dma_wait3A_475, %dma_wait3A_476] : memref<64x256x2x8x128xf32, #tpu.memory_space<hbm>> -> memref<1x16x2x8x128xf32, #tpu.memory_space<hbm>>
        %dma_wait3A_478 = tpu.memref_squeeze %dma_wait3A_477 : memref<1x16x2x8x128xf32, #tpu.memory_space<hbm>> -> memref<16x2x8x128xf32, #tpu.memory_space<hbm>>
        %dma_wait3A_479 = arith.constant 0 : i32
        %dma_wait3A_480 = arith.constant 0 : i32
        %dma_wait3A_481 = arith.constant 0 : i32
        %dma_wait3A_482 = tpu.memref_slice %arg4[%add3A_449, %mul3A_467, %dma_wait3A_479, %dma_wait3A_480, %dma_wait3A_481] : memref<64x256x2x8x128xf32, #tpu.memory_space<hbm>> -> memref<1x16x2x8x128xf32, #tpu.memory_space<hbm>>
        %dma_wait3A_483 = tpu.memref_squeeze %dma_wait3A_482 : memref<1x16x2x8x128xf32, #tpu.memory_space<hbm>> -> memref<16x2x8x128xf32, #tpu.memory_space<hbm>>
        %dma_wait3A_484 = arith.constant 0 : i32
        %dma_wait3A_485 = arith.constant 0 : i32
        %dma_wait3A_486 = arith.constant 0 : i32
        %dma_wait3A_487 = arith.constant 0 : i32
        %dma_wait3A_488 = tpu.memref_slice %arg7[%cond3A_338, %dma_wait3A_484, %dma_wait3A_485, %dma_wait3A_486, %dma_wait3A_487] : memref<2x16x2x8x128xf32, #tpu.memory_space<vmem>> -> memref<1x16x2x8x128xf32, #tpu.memory_space<vmem>>
        %dma_wait3A_489 = tpu.memref_squeeze %dma_wait3A_488 : memref<1x16x2x8x128xf32, #tpu.memory_space<vmem>> -> memref<16x2x8x128xf32, #tpu.memory_space<vmem>>
        tpu.wait_dma2 semaphore(%arg11 : memref<!tpu.dma_semaphore, #tpu.memory_space<semaphore_mem>>) src(%dma_wait3A_489 : memref<16x2x8x128xf32, #tpu.memory_space<vmem>>) dst(%dma_wait3A_483 : memref<16x2x8x128xf32, #tpu.memory_space<hbm>>)
      } else {
      }
      %parallel_loop3A_341 = arith.constant 0 : i32
      %parallel_loop3A_342 = arith.constant 256 : i32
      %parallel_loop3A_343 = arith.constant 1 : i32
      %parallel_loop3A_344 = arith.constant 1 : i32
      %parallel_loop3A_345 = arith.constant 1 : i32
      scf.for %parallel_loop3A_421 = %parallel_loop3A_341 to %parallel_loop3A_342 step %parallel_loop3A_343  : i32 {
        %parallel_loop3A_422 = arith.constant 7 : i32
        %parallel_loop3A_423 = arith.andi %parallel_loop3A_421, %parallel_loop3A_422 : i32
        %parallel_loop3A_424 = arith.constant 3 : i32
        %parallel_loop3A_425 = arith.shrsi %parallel_loop3A_421, %parallel_loop3A_424 : i32
        %parallel_loop3A_426 = arith.constant 1 : i32
        %parallel_loop3A_427 = arith.andi %parallel_loop3A_425, %parallel_loop3A_426 : i32
        %parallel_loop3A_428 = arith.constant 4 : i32
        %parallel_loop3A_429 = arith.shrsi %parallel_loop3A_421, %parallel_loop3A_428 : i32
        %parallel_loop3A_430 = arith.constant 7 : i32
        %parallel_loop3A_431 = arith.andi %parallel_loop3A_429, %parallel_loop3A_430 : i32
        %parallel_loop3A_432 = arith.constant 7 : i32
        %parallel_loop3A_433 = arith.shrsi %parallel_loop3A_421, %parallel_loop3A_432 : i32
        %parallel_loop3A_434 = arith.constant 16 : i32
        %parallel_loop3A_435 = arith.muli %parallel_loop3A_423, %parallel_loop3A_434 : i32
        %parallel_loop3A_436 = arith.constant 0 : i32
        %parallel_loop3A_437 = arith.constant 0 : i32
        %parallel_loop3A_438 = arith.constant 0 : i32
        %parallel_loop3A_439 = arith.constant 0 : i32
        %parallel_loop3A_440 = tpu.memref_slice %arg6[%parallel_loop3A_344, %parallel_loop3A_436, %parallel_loop3A_437, %parallel_loop3A_438, %parallel_loop3A_439] : memref<2x2x2x8x128xi32, #tpu.memory_space<vmem>> -> memref<1x2x2x8x128xi32, #tpu.memory_space<vmem>>
        %parallel_loop3A_441 = tpu.memref_squeeze %parallel_loop3A_440 : memref<1x2x2x8x128xi32, #tpu.memory_space<vmem>> -> memref<2x2x8x128xi32, #tpu.memory_space<vmem>>
        %parallel_loop3A_442 = arith.index_cast %parallel_loop3A_433 : i32 to index
        %parallel_loop3A_443 = arith.index_cast %parallel_loop3A_427 : i32 to index
        %parallel_loop3A_444 = arith.index_cast %parallel_loop3A_431 : i32 to index
        %parallel_loop3A_445 = arith.index_cast %parallel_loop3A_435 : i32 to index
        %parallel_loop3A_446 = tpu.vector_load %parallel_loop3A_441[%parallel_loop3A_442, %parallel_loop3A_443, %parallel_loop3A_444, %parallel_loop3A_445] {strides = array<i32>} : memref<2x2x8x128xi32, #tpu.memory_space<vmem>>, vector<16xi32>,
        %parallel_loop3A_447 = arith.constant -1 : i32
        %parallel_loop3A_448 = vector.broadcast %parallel_loop3A_447 : i32 to vector<16xi32>
        %parallel_loop3A_449 = arith.maxsi %parallel_loop3A_446, %parallel_loop3A_448 : vector<16xi32>
        %parallel_loop3A_450 = arith.constant 100 : i32
        %parallel_loop3A_451 = vector.broadcast %parallel_loop3A_450 : i32 to vector<16xi32>
        %parallel_loop3A_452 = arith.minsi %parallel_loop3A_449, %parallel_loop3A_451 : vector<16xi32>
        %parallel_loop3A_453 = arith.constant 1 : i32
        %parallel_loop3A_454 = vector.broadcast %parallel_loop3A_453 : i32 to vector<16xi32>
        %parallel_loop3A_455 = arith.addi %parallel_loop3A_452, %parallel_loop3A_454 : vector<16xi32>
        %parallel_loop3A_456 = arith.constant 128 : i32
        %parallel_loop3A_457 = vector.broadcast %parallel_loop3A_456 : i32 to vector<16xi32>
        %parallel_loop3A_458 = arith.muli %parallel_loop3A_455, %parallel_loop3A_457 : vector<16xi32>
        %parallel_loop3A_459 = arith.addi %parallel_loop3A_458, %iota3A : vector<16xi32>
        %parallel_loop3A_460 = arith.constant 8 : i32
        %parallel_loop3A_461 = arith.muli %parallel_loop3A_433, %parallel_loop3A_460 : i32
        %parallel_loop3A_462 = arith.addi %parallel_loop3A_461, %parallel_loop3A_431 : i32
        %parallel_loop3A_463 = arith.constant 0 : i32
        %parallel_loop3A_464 = vector.broadcast %parallel_loop3A_463 : i32 to vector<16xi32>
        %parallel_loop3A_465 = arith.addi %parallel_loop3A_459, %parallel_loop3A_464 : vector<16xi32>
        %parallel_loop3A_466 = tpu.vector_load_idx %arg5[%parallel_loop3A_465] : memref<13056xf32, #tpu.memory_space<vmem>>[vector<16xi32>], vector<16xf32>,
        %parallel_loop3A_467 = arith.constant 0 : i32
        %parallel_loop3A_468 = arith.constant 0 : i32
        %parallel_loop3A_469 = arith.constant 0 : i32
        %parallel_loop3A_470 = arith.constant 0 : i32
        %parallel_loop3A_471 = arith.constant 0 : i32
        %parallel_loop3A_472 = tpu.memref_slice %arg7[%parallel_loop3A_345, %parallel_loop3A_468, %parallel_loop3A_469, %parallel_loop3A_470, %parallel_loop3A_471] : memref<2x16x2x8x128xf32, #tpu.memory_space<vmem>> -> memref<1x16x2x8x128xf32, #tpu.memory_space<vmem>>
        %parallel_loop3A_473 = tpu.memref_squeeze %parallel_loop3A_472 : memref<1x16x2x8x128xf32, #tpu.memory_space<vmem>> -> memref<16x2x8x128xf32, #tpu.memory_space<vmem>>
        %parallel_loop3A_474 = arith.index_cast %parallel_loop3A_462 : i32 to index
        %parallel_loop3A_475 = arith.index_cast %parallel_loop3A_427 : i32 to index
        %parallel_loop3A_476 = arith.index_cast %parallel_loop3A_467 : i32 to index
        %parallel_loop3A_477 = arith.index_cast %parallel_loop3A_435 : i32 to index
        %parallel_loop3A_478 = tpu.vector_load %parallel_loop3A_473[%parallel_loop3A_474, %parallel_loop3A_475, %parallel_loop3A_476, %parallel_loop3A_477] {strides = array<i32>} : memref<16x2x8x128xf32, #tpu.memory_space<vmem>>, vector<16xf32>,
        tpu.vector_store %parallel_loop3A_473[%parallel_loop3A_474, %parallel_loop3A_475, %parallel_loop3A_476, %parallel_loop3A_477], %parallel_loop3A_466 {strides = array<i32>} : memref<16x2x8x128xf32, #tpu.memory_space<vmem>>, vector<16xf32>,
        %parallel_loop3A_479 = arith.constant 16 : i32
        %parallel_loop3A_480 = vector.broadcast %parallel_loop3A_479 : i32 to vector<16xi32>
        %parallel_loop3A_481 = arith.addi %parallel_loop3A_459, %parallel_loop3A_480 : vector<16xi32>
        %parallel_loop3A_482 = tpu.vector_load_idx %arg5[%parallel_loop3A_481] : memref<13056xf32, #tpu.memory_space<vmem>>[vector<16xi32>], vector<16xf32>,
        %parallel_loop3A_483 = arith.constant 1 : i32
        %parallel_loop3A_484 = arith.constant 0 : i32
        %parallel_loop3A_485 = arith.constant 0 : i32
        %parallel_loop3A_486 = arith.constant 0 : i32
        %parallel_loop3A_487 = arith.constant 0 : i32
        %parallel_loop3A_488 = tpu.memref_slice %arg7[%parallel_loop3A_345, %parallel_loop3A_484, %parallel_loop3A_485, %parallel_loop3A_486, %parallel_loop3A_487] : memref<2x16x2x8x128xf32, #tpu.memory_space<vmem>> -> memref<1x16x2x8x128xf32, #tpu.memory_space<vmem>>
        %parallel_loop3A_489 = tpu.memref_squeeze %parallel_loop3A_488 : memref<1x16x2x8x128xf32, #tpu.memory_space<vmem>> -> memref<16x2x8x128xf32, #tpu.memory_space<vmem>>
        %parallel_loop3A_490 = arith.index_cast %parallel_loop3A_462 : i32 to index
        %parallel_loop3A_491 = arith.index_cast %parallel_loop3A_427 : i32 to index
        %parallel_loop3A_492 = arith.index_cast %parallel_loop3A_483 : i32 to index
        %parallel_loop3A_493 = arith.index_cast %parallel_loop3A_435 : i32 to index
        %parallel_loop3A_494 = tpu.vector_load %parallel_loop3A_489[%parallel_loop3A_490, %parallel_loop3A_491, %parallel_loop3A_492, %parallel_loop3A_493] {strides = array<i32>} : memref<16x2x8x128xf32, #tpu.memory_space<vmem>>, vector<16xf32>,
        tpu.vector_store %parallel_loop3A_489[%parallel_loop3A_490, %parallel_loop3A_491, %parallel_loop3A_492, %parallel_loop3A_493], %parallel_loop3A_482 {strides = array<i32>} : memref<16x2x8x128xf32, #tpu.memory_space<vmem>>, vector<16xf32>,
        %parallel_loop3A_495 = arith.constant 32 : i32
        %parallel_loop3A_496 = vector.broadcast %parallel_loop3A_495 : i32 to vector<16xi32>
        %parallel_loop3A_497 = arith.addi %parallel_loop3A_459, %parallel_loop3A_496 : vector<16xi32>
        %parallel_loop3A_498 = tpu.vector_load_idx %arg5[%parallel_loop3A_497] : memref<13056xf32, #tpu.memory_space<vmem>>[vector<16xi32>], vector<16xf32>,
        %parallel_loop3A_499 = arith.constant 2 : i32
        %parallel_loop3A_500 = arith.constant 0 : i32
        %parallel_loop3A_501 = arith.constant 0 : i32
        %parallel_loop3A_502 = arith.constant 0 : i32
        %parallel_loop3A_503 = arith.constant 0 : i32
        %parallel_loop3A_504 = tpu.memref_slice %arg7[%parallel_loop3A_345, %parallel_loop3A_500, %parallel_loop3A_501, %parallel_loop3A_502, %parallel_loop3A_503] : memref<2x16x2x8x128xf32, #tpu.memory_space<vmem>> -> memref<1x16x2x8x128xf32, #tpu.memory_space<vmem>>
        %parallel_loop3A_505 = tpu.memref_squeeze %parallel_loop3A_504 : memref<1x16x2x8x128xf32, #tpu.memory_space<vmem>> -> memref<16x2x8x128xf32, #tpu.memory_space<vmem>>
        %parallel_loop3A_506 = arith.index_cast %parallel_loop3A_462 : i32 to index
        %parallel_loop3A_507 = arith.index_cast %parallel_loop3A_427 : i32 to index
        %parallel_loop3A_508 = arith.index_cast %parallel_loop3A_499 : i32 to index
        %parallel_loop3A_509 = arith.index_cast %parallel_loop3A_435 : i32 to index
        %parallel_loop3A_510 = tpu.vector_load %parallel_loop3A_505[%parallel_loop3A_506, %parallel_loop3A_507, %parallel_loop3A_508, %parallel_loop3A_509] {strides = array<i32>} : memref<16x2x8x128xf32, #tpu.memory_space<vmem>>, vector<16xf32>,
        tpu.vector_store %parallel_loop3A_505[%parallel_loop3A_506, %parallel_loop3A_507, %parallel_loop3A_508, %parallel_loop3A_509], %parallel_loop3A_498 {strides = array<i32>} : memref<16x2x8x128xf32, #tpu.memory_space<vmem>>, vector<16xf32>,
        %parallel_loop3A_511 = arith.constant 48 : i32
        %parallel_loop3A_512 = vector.broadcast %parallel_loop3A_511 : i32 to vector<16xi32>
        %parallel_loop3A_513 = arith.addi %parallel_loop3A_459, %parallel_loop3A_512 : vector<16xi32>
        %parallel_loop3A_514 = tpu.vector_load_idx %arg5[%parallel_loop3A_513] : memref<13056xf32, #tpu.memory_space<vmem>>[vector<16xi32>], vector<16xf32>,
        %parallel_loop3A_515 = arith.constant 3 : i32
        %parallel_loop3A_516 = arith.constant 0 : i32
        %parallel_loop3A_517 = arith.constant 0 : i32
        %parallel_loop3A_518 = arith.constant 0 : i32
        %parallel_loop3A_519 = arith.constant 0 : i32
        %parallel_loop3A_520 = tpu.memref_slice %arg7[%parallel_loop3A_345, %parallel_loop3A_516, %parallel_loop3A_517, %parallel_loop3A_518, %parallel_loop3A_519] : memref<2x16x2x8x128xf32, #tpu.memory_space<vmem>> -> memref<1x16x2x8x128xf32, #tpu.memory_space<vmem>>
        %parallel_loop3A_521 = tpu.memref_squeeze %parallel_loop3A_520 : memref<1x16x2x8x128xf32, #tpu.memory_space<vmem>> -> memref<16x2x8x128xf32, #tpu.memory_space<vmem>>
        %parallel_loop3A_522 = arith.index_cast %parallel_loop3A_462 : i32 to index
        %parallel_loop3A_523 = arith.index_cast %parallel_loop3A_427 : i32 to index
        %parallel_loop3A_524 = arith.index_cast %parallel_loop3A_515 : i32 to index
        %parallel_loop3A_525 = arith.index_cast %parallel_loop3A_435 : i32 to index
        %parallel_loop3A_526 = tpu.vector_load %parallel_loop3A_521[%parallel_loop3A_522, %parallel_loop3A_523, %parallel_loop3A_524, %parallel_loop3A_525] {strides = array<i32>} : memref<16x2x8x128xf32, #tpu.memory_space<vmem>>, vector<16xf32>,
        tpu.vector_store %parallel_loop3A_521[%parallel_loop3A_522, %parallel_loop3A_523, %parallel_loop3A_524, %parallel_loop3A_525], %parallel_loop3A_514 {strides = array<i32>} : memref<16x2x8x128xf32, #tpu.memory_space<vmem>>, vector<16xf32>,
        %parallel_loop3A_527 = arith.constant 64 : i32
        %parallel_loop3A_528 = vector.broadcast %parallel_loop3A_527 : i32 to vector<16xi32>
        %parallel_loop3A_529 = arith.addi %parallel_loop3A_459, %parallel_loop3A_528 : vector<16xi32>
        %parallel_loop3A_530 = tpu.vector_load_idx %arg5[%parallel_loop3A_529] : memref<13056xf32, #tpu.memory_space<vmem>>[vector<16xi32>], vector<16xf32>,
        %parallel_loop3A_531 = arith.constant 4 : i32
        %parallel_loop3A_532 = arith.constant 0 : i32
        %parallel_loop3A_533 = arith.constant 0 : i32
        %parallel_loop3A_534 = arith.constant 0 : i32
        %parallel_loop3A_535 = arith.constant 0 : i32
        %parallel_loop3A_536 = tpu.memref_slice %arg7[%parallel_loop3A_345, %parallel_loop3A_532, %parallel_loop3A_533, %parallel_loop3A_534, %parallel_loop3A_535] : memref<2x16x2x8x128xf32, #tpu.memory_space<vmem>> -> memref<1x16x2x8x128xf32, #tpu.memory_space<vmem>>
        %parallel_loop3A_537 = tpu.memref_squeeze %parallel_loop3A_536 : memref<1x16x2x8x128xf32, #tpu.memory_space<vmem>> -> memref<16x2x8x128xf32, #tpu.memory_space<vmem>>
        %parallel_loop3A_538 = arith.index_cast %parallel_loop3A_462 : i32 to index
        %parallel_loop3A_539 = arith.index_cast %parallel_loop3A_427 : i32 to index
        %parallel_loop3A_540 = arith.index_cast %parallel_loop3A_531 : i32 to index
        %parallel_loop3A_541 = arith.index_cast %parallel_loop3A_435 : i32 to index
        %parallel_loop3A_542 = tpu.vector_load %parallel_loop3A_537[%parallel_loop3A_538, %parallel_loop3A_539, %parallel_loop3A_540, %parallel_loop3A_541] {strides = array<i32>} : memref<16x2x8x128xf32, #tpu.memory_space<vmem>>, vector<16xf32>,
        tpu.vector_store %parallel_loop3A_537[%parallel_loop3A_538, %parallel_loop3A_539, %parallel_loop3A_540, %parallel_loop3A_541], %parallel_loop3A_530 {strides = array<i32>} : memref<16x2x8x128xf32, #tpu.memory_space<vmem>>, vector<16xf32>,
        %parallel_loop3A_543 = arith.constant 80 : i32
        %parallel_loop3A_544 = vector.broadcast %parallel_loop3A_543 : i32 to vector<16xi32>
        %parallel_loop3A_545 = arith.addi %parallel_loop3A_459, %parallel_loop3A_544 : vector<16xi32>
        %parallel_loop3A_546 = tpu.vector_load_idx %arg5[%parallel_loop3A_545] : memref<13056xf32, #tpu.memory_space<vmem>>[vector<16xi32>], vector<16xf32>,
        %parallel_loop3A_547 = arith.constant 5 : i32
        %parallel_loop3A_548 = arith.constant 0 : i32
        %parallel_loop3A_549 = arith.constant 0 : i32
        %parallel_loop3A_550 = arith.constant 0 : i32
        %parallel_loop3A_551 = arith.constant 0 : i32
        %parallel_loop3A_552 = tpu.memref_slice %arg7[%parallel_loop3A_345, %parallel_loop3A_548, %parallel_loop3A_549, %parallel_loop3A_550, %parallel_loop3A_551] : memref<2x16x2x8x128xf32, #tpu.memory_space<vmem>> -> memref<1x16x2x8x128xf32, #tpu.memory_space<vmem>>
        %parallel_loop3A_553 = tpu.memref_squeeze %parallel_loop3A_552 : memref<1x16x2x8x128xf32, #tpu.memory_space<vmem>> -> memref<16x2x8x128xf32, #tpu.memory_space<vmem>>
        %parallel_loop3A_554 = arith.index_cast %parallel_loop3A_462 : i32 to index
        %parallel_loop3A_555 = arith.index_cast %parallel_loop3A_427 : i32 to index
        %parallel_loop3A_556 = arith.index_cast %parallel_loop3A_547 : i32 to index
        %parallel_loop3A_557 = arith.index_cast %parallel_loop3A_435 : i32 to index
        %parallel_loop3A_558 = tpu.vector_load %parallel_loop3A_553[%parallel_loop3A_554, %parallel_loop3A_555, %parallel_loop3A_556, %parallel_loop3A_557] {strides = array<i32>} : memref<16x2x8x128xf32, #tpu.memory_space<vmem>>, vector<16xf32>,
        tpu.vector_store %parallel_loop3A_553[%parallel_loop3A_554, %parallel_loop3A_555, %parallel_loop3A_556, %parallel_loop3A_557], %parallel_loop3A_546 {strides = array<i32>} : memref<16x2x8x128xf32, #tpu.memory_space<vmem>>, vector<16xf32>,
        %parallel_loop3A_559 = arith.constant 96 : i32
        %parallel_loop3A_560 = vector.broadcast %parallel_loop3A_559 : i32 to vector<16xi32>
        %parallel_loop3A_561 = arith.addi %parallel_loop3A_459, %parallel_loop3A_560 : vector<16xi32>
        %parallel_loop3A_562 = tpu.vector_load_idx %arg5[%parallel_loop3A_561] : memref<13056xf32, #tpu.memory_space<vmem>>[vector<16xi32>], vector<16xf32>,
        %parallel_loop3A_563 = arith.constant 6 : i32
        %parallel_loop3A_564 = arith.constant 0 : i32
        %parallel_loop3A_565 = arith.constant 0 : i32
        %parallel_loop3A_566 = arith.constant 0 : i32
        %parallel_loop3A_567 = arith.constant 0 : i32
        %parallel_loop3A_568 = tpu.memref_slice %arg7[%parallel_loop3A_345, %parallel_loop3A_564, %parallel_loop3A_565, %parallel_loop3A_566, %parallel_loop3A_567] : memref<2x16x2x8x128xf32, #tpu.memory_space<vmem>> -> memref<1x16x2x8x128xf32, #tpu.memory_space<vmem>>
        %parallel_loop3A_569 = tpu.memref_squeeze %parallel_loop3A_568 : memref<1x16x2x8x128xf32, #tpu.memory_space<vmem>> -> memref<16x2x8x128xf32, #tpu.memory_space<vmem>>
        %parallel_loop3A_570 = arith.index_cast %parallel_loop3A_462 : i32 to index
        %parallel_loop3A_571 = arith.index_cast %parallel_loop3A_427 : i32 to index
        %parallel_loop3A_572 = arith.index_cast %parallel_loop3A_563 : i32 to index
        %parallel_loop3A_573 = arith.index_cast %parallel_loop3A_435 : i32 to index
        %parallel_loop3A_574 = tpu.vector_load %parallel_loop3A_569[%parallel_loop3A_570, %parallel_loop3A_571, %parallel_loop3A_572, %parallel_loop3A_573] {strides = array<i32>} : memref<16x2x8x128xf32, #tpu.memory_space<vmem>>, vector<16xf32>,
        tpu.vector_store %parallel_loop3A_569[%parallel_loop3A_570, %parallel_loop3A_571, %parallel_loop3A_572, %parallel_loop3A_573], %parallel_loop3A_562 {strides = array<i32>} : memref<16x2x8x128xf32, #tpu.memory_space<vmem>>, vector<16xf32>,
        %parallel_loop3A_575 = arith.constant 112 : i32
        %parallel_loop3A_576 = vector.broadcast %parallel_loop3A_575 : i32 to vector<16xi32>
        %parallel_loop3A_577 = arith.addi %parallel_loop3A_459, %parallel_loop3A_576 : vector<16xi32>
        %parallel_loop3A_578 = tpu.vector_load_idx %arg5[%parallel_loop3A_577] : memref<13056xf32, #tpu.memory_space<vmem>>[vector<16xi32>], vector<16xf32>,
        %parallel_loop3A_579 = arith.constant 7 : i32
        %parallel_loop3A_580 = arith.constant 0 : i32
        %parallel_loop3A_581 = arith.constant 0 : i32
        %parallel_loop3A_582 = arith.constant 0 : i32
        %parallel_loop3A_583 = arith.constant 0 : i32
        %parallel_loop3A_584 = tpu.memref_slice %arg7[%parallel_loop3A_345, %parallel_loop3A_580, %parallel_loop3A_581, %parallel_loop3A_582, %parallel_loop3A_583] : memref<2x16x2x8x128xf32, #tpu.memory_space<vmem>> -> memref<1x16x2x8x128xf32, #tpu.memory_space<vmem>>
        %parallel_loop3A_585 = tpu.memref_squeeze %parallel_loop3A_584 : memref<1x16x2x8x128xf32, #tpu.memory_space<vmem>> -> memref<16x2x8x128xf32, #tpu.memory_space<vmem>>
        %parallel_loop3A_586 = arith.index_cast %parallel_loop3A_462 : i32 to index
        %parallel_loop3A_587 = arith.index_cast %parallel_loop3A_427 : i32 to index
        %parallel_loop3A_588 = arith.index_cast %parallel_loop3A_579 : i32 to index
        %parallel_loop3A_589 = arith.index_cast %parallel_loop3A_435 : i32 to index
        %parallel_loop3A_590 = tpu.vector_load %parallel_loop3A_585[%parallel_loop3A_586, %parallel_loop3A_587, %parallel_loop3A_588, %parallel_loop3A_589] {strides = array<i32>} : memref<16x2x8x128xf32, #tpu.memory_space<vmem>>, vector<16xf32>,
        tpu.vector_store %parallel_loop3A_585[%parallel_loop3A_586, %parallel_loop3A_587, %parallel_loop3A_588, %parallel_loop3A_589], %parallel_loop3A_578 {strides = array<i32>} : memref<16x2x8x128xf32, #tpu.memory_space<vmem>>, vector<16xf32>,
      } {sc.loop_unroll_factor = 4 : i64, sc.parallel_access}
      %mul3A_346 = arith.constant 2 : i32
      %mul3A_347 = arith.muli %add3A, %mul3A_346 : i32
      %jit3A_348 = arith.constant 16 : i32
      %div3A_349 = arith.divsi %add3A_266, %jit3A_348 : i32
      %sign3A_350 = arith.constant 0 : i32
      %sign3A_351 = arith.cmpi sgt, %add3A_266, %sign3A_350 : i32
      %sign3A_352 = arith.extui %sign3A_351 : i1 to i32
      %sign3A_353 = arith.constant 0 : i32
      %sign3A_354 = arith.cmpi slt, %add3A_266, %sign3A_353 : i32
      %sign3A_355 = arith.extui %sign3A_354 : i1 to i32
      %sign3A_356 = arith.subi %sign3A_352, %sign3A_355 : i32
      %sign3A_357 = arith.constant 0 : i32
      %sign3A_358 = arith.cmpi sgt, %jit3A_348, %sign3A_357 : i32
      %sign3A_359 = arith.extui %sign3A_358 : i1 to i32
      %sign3A_360 = arith.constant 0 : i32
      %sign3A_361 = arith.cmpi slt, %jit3A_348, %sign3A_360 : i32
      %sign3A_362 = arith.extui %sign3A_361 : i1 to i32
      %sign3A_363 = arith.subi %sign3A_359, %sign3A_362 : i32
      %ne3A_364 = arith.cmpi ne, %sign3A_356, %sign3A_363 : i32
      %rem3A_365 = arith.remsi %add3A_266, %jit3A_348 : i32
      %ne3A_366 = arith.constant 0 : i32
      %ne3A_367 = arith.cmpi ne, %rem3A_365, %ne3A_366 : i32
      %and3A_368 = arith.andi %ne3A_364, %ne3A_367 : i1
      %sub3A_369 = arith.constant 1 : i32
      %sub3A_370 = arith.subi %div3A_349, %sub3A_369 : i32
      %select_n3A_371 = arith.select %and3A_368, %sub3A_370, %div3A_349 : i32
      %add3A_372 = arith.addi %mul3A_347, %select_n3A_371 : i32
      %jit3A_373 = arith.constant 16 : i32
      %eq3A_374 = arith.constant 0 : i32
      %eq3A_375 = arith.cmpi eq, %jit3A_373, %eq3A_374 : i32
      %jit3A_376 = arith.constant 1 : i32
      %select_n3A_377 = arith.select %eq3A_375, %jit3A_376, %jit3A_373 : i32
      %rem3A_378 = arith.remsi %add3A_266, %select_n3A_377 : i32
      %ne3A_379 = arith.constant 0 : i32
      %ne3A_380 = arith.cmpi ne, %rem3A_378, %ne3A_379 : i32
      %lt3A_381 = arith.constant 0 : i32
      %lt3A_382 = arith.cmpi slt, %rem3A_378, %lt3A_381 : i32
      %lt3A_383 = arith.constant 0 : i32
      %lt3A_384 = arith.cmpi slt, %select_n3A_377, %lt3A_383 : i32
      %ne3A_385 = arith.xori %lt3A_382, %lt3A_384 : i1
      %and3A_386 = arith.andi %ne3A_385, %ne3A_380 : i1
      %add3A_387 = arith.addi %rem3A_378, %select_n3A_377 : i32
      %select_n3A_388 = arith.select %and3A_386, %add3A_387, %rem3A_378 : i32
      %mul3A_389 = arith.constant 16 : i32
      %mul3A_390 = arith.muli %select_n3A_388, %mul3A_389 : i32
      %dma_start3A_391 = arith.constant 1 : i32
      %dma_start3A_392 = arith.constant 0 : i32
      %dma_start3A_393 = arith.constant 0 : i32
      %dma_start3A_394 = arith.constant 0 : i32
      %dma_start3A_395 = arith.constant 0 : i32
      %dma_start3A_396 = tpu.memref_slice %arg7[%dma_start3A_391, %dma_start3A_392, %dma_start3A_393, %dma_start3A_394, %dma_start3A_395] : memref<2x16x2x8x128xf32, #tpu.memory_space<vmem>> -> memref<1x16x2x8x128xf32, #tpu.memory_space<vmem>>
      %dma_start3A_397 = tpu.memref_squeeze %dma_start3A_396 : memref<1x16x2x8x128xf32, #tpu.memory_space<vmem>> -> memref<16x2x8x128xf32, #tpu.memory_space<vmem>>
      %dma_start3A_398 = arith.constant 0 : i32
      %dma_start3A_399 = arith.constant 0 : i32
      %dma_start3A_400 = arith.constant 0 : i32
      %dma_start3A_401 = tpu.memref_slice %arg4[%add3A_372, %mul3A_390, %dma_start3A_398, %dma_start3A_399, %dma_start3A_400] : memref<64x256x2x8x128xf32, #tpu.memory_space<hbm>> -> memref<1x16x2x8x128xf32, #tpu.memory_space<hbm>>
      %dma_start3A_402 = tpu.memref_squeeze %dma_start3A_401 : memref<1x16x2x8x128xf32, #tpu.memory_space<hbm>> -> memref<16x2x8x128xf32, #tpu.memory_space<hbm>>
      %dma_start3A_403 = arith.constant 0 : i32
      %dma_start3A_404 = arith.constant 0 : i32
      %dma_start3A_405 = arith.constant 0 : i32
      %dma_start3A_406 = tpu.memref_slice %arg4[%add3A_372, %mul3A_390, %dma_start3A_403, %dma_start3A_404, %dma_start3A_405] : memref<64x256x2x8x128xf32, #tpu.memory_space<hbm>> -> memref<1x16x2x8x128xf32, #tpu.memory_space<hbm>>
      %dma_start3A_407 = tpu.memref_squeeze %dma_start3A_406 : memref<1x16x2x8x128xf32, #tpu.memory_space<hbm>> -> memref<16x2x8x128xf32, #tpu.memory_space<hbm>>
      %dma_start3A_408 = arith.constant 0 : i32
      %dma_start3A_409 = arith.constant 0 : i32
      %dma_start3A_410 = arith.constant 0 : i32
      %dma_start3A_411 = arith.constant 0 : i32
      %dma_start3A_412 = tpu.memref_slice %arg7[%dma_start3A_391, %dma_start3A_408, %dma_start3A_409, %dma_start3A_410, %dma_start3A_411] : memref<2x16x2x8x128xf32, #tpu.memory_space<vmem>> -> memref<1x16x2x8x128xf32, #tpu.memory_space<vmem>>
      %dma_start3A_413 = tpu.memref_squeeze %dma_start3A_412 : memref<1x16x2x8x128xf32, #tpu.memory_space<vmem>> -> memref<16x2x8x128xf32, #tpu.memory_space<vmem>>
      tpu.enqueue_dma source(%dma_start3A_413 : memref<16x2x8x128xf32, #tpu.memory_space<vmem>>) target(%dma_start3A_407 : memref<16x2x8x128xf32, #tpu.memory_space<hbm>>) target_semaphore(%arg11 : memref<!tpu.dma_semaphore, #tpu.memory_space<semaphore_mem>>)
      %add3A_414 = arith.constant 2 : i32
      %add3A_415 = arith.addi %add3A_266, %add3A_414 : i32
      %lt3A_416 = arith.constant 32 : i32
      %lt3A_417 = arith.cmpi slt, %add3A_415, %lt3A_416 : i32
      %convert_element_type3A_418 = arith.extui %lt3A_417 : i1 to i32
      %cond3A_419 = arith.constant 0 : i32
      %cond3A_420 = arith.cmpi ne, %convert_element_type3A_418, %cond3A_419 : i32
      scf.if %cond3A_420 {
        %add3A_421 = arith.constant 2 : i32
        %add3A_422 = arith.addi %add3A_266, %add3A_421 : i32
        %mul3A_423 = arith.constant 2 : i32
        %mul3A_424 = arith.muli %add3A, %mul3A_423 : i32
        %jit3A_425 = arith.constant 16 : i32
        %div3A_426 = arith.divsi %add3A_422, %jit3A_425 : i32
        %sign3A_427 = arith.constant 0 : i32
        %sign3A_428 = arith.cmpi sgt, %add3A_422, %sign3A_427 : i32
        %sign3A_429 = arith.extui %sign3A_428 : i1 to i32
        %sign3A_430 = arith.constant 0 : i32
        %sign3A_431 = arith.cmpi slt, %add3A_422, %sign3A_430 : i32
        %sign3A_432 = arith.extui %sign3A_431 : i1 to i32
        %sign3A_433 = arith.subi %sign3A_429, %sign3A_432 : i32
        %sign3A_434 = arith.constant 0 : i32
        %sign3A_435 = arith.cmpi sgt, %jit3A_425, %sign3A_434 : i32
        %sign3A_436 = arith.extui %sign3A_435 : i1 to i32
        %sign3A_437 = arith.constant 0 : i32
        %sign3A_438 = arith.cmpi slt, %jit3A_425, %sign3A_437 : i32
        %sign3A_439 = arith.extui %sign3A_438 : i1 to i32
        %sign3A_440 = arith.subi %sign3A_436, %sign3A_439 : i32
        %ne3A_441 = arith.cmpi ne, %sign3A_433, %sign3A_440 : i32
        %rem3A_442 = arith.remsi %add3A_422, %jit3A_425 : i32
        %ne3A_443 = arith.constant 0 : i32
        %ne3A_444 = arith.cmpi ne, %rem3A_442, %ne3A_443 : i32
        %and3A_445 = arith.andi %ne3A_441, %ne3A_444 : i1
        %sub3A_446 = arith.constant 1 : i32
        %sub3A_447 = arith.subi %div3A_426, %sub3A_446 : i32
        %select_n3A_448 = arith.select %and3A_445, %sub3A_447, %div3A_426 : i32
        %add3A_449 = arith.addi %mul3A_424, %select_n3A_448 : i32
        %jit3A_450 = arith.constant 16 : i32
        %eq3A_451 = arith.constant 0 : i32
        %eq3A_452 = arith.cmpi eq, %jit3A_450, %eq3A_451 : i32
        %jit3A_453 = arith.constant 1 : i32
        %select_n3A_454 = arith.select %eq3A_452, %jit3A_453, %jit3A_450 : i32
        %rem3A_455 = arith.remsi %add3A_422, %select_n3A_454 : i32
        %ne3A_456 = arith.constant 0 : i32
        %ne3A_457 = arith.cmpi ne, %rem3A_455, %ne3A_456 : i32
        %lt3A_458 = arith.constant 0 : i32
        %lt3A_459 = arith.cmpi slt, %rem3A_455, %lt3A_458 : i32
        %lt3A_460 = arith.constant 0 : i32
        %lt3A_461 = arith.cmpi slt, %select_n3A_454, %lt3A_460 : i32
        %ne3A_462 = arith.xori %lt3A_459, %lt3A_461 : i1
        %and3A_463 = arith.andi %ne3A_462, %ne3A_457 : i1
        %add3A_464 = arith.addi %rem3A_455, %select_n3A_454 : i32
        %select_n3A_465 = arith.select %and3A_463, %add3A_464, %rem3A_455 : i32
        %mul3A_466 = arith.constant 2 : i32
        %mul3A_467 = arith.muli %select_n3A_465, %mul3A_466 : i32
        %dma_start3A_468 = arith.constant 1 : i32
        %dma_start3A_469 = arith.constant 0 : i32
        %dma_start3A_470 = arith.constant 0 : i32
        %dma_start3A_471 = arith.constant 0 : i32
        %dma_start3A_472 = arith.constant 0 : i32
        %dma_start3A_473 = tpu.memref_slice %arg6[%dma_start3A_468, %dma_start3A_469, %dma_start3A_470, %dma_start3A_471, %dma_start3A_472] : memref<2x2x2x8x128xi32, #tpu.memory_space<vmem>> -> memref<1x2x2x8x128xi32, #tpu.memory_space<vmem>>
        %dma_start3A_474 = tpu.memref_squeeze %dma_start3A_473 : memref<1x2x2x8x128xi32, #tpu.memory_space<vmem>> -> memref<2x2x8x128xi32, #tpu.memory_space<vmem>>
        %dma_start3A_475 = arith.constant 0 : i32
        %dma_start3A_476 = arith.constant 0 : i32
        %dma_start3A_477 = arith.constant 0 : i32
        %dma_start3A_478 = tpu.memref_slice %arg2[%add3A_449, %mul3A_467, %dma_start3A_475, %dma_start3A_476, %dma_start3A_477] : memref<64x32x2x8x128xi32, #tpu.memory_space<hbm>> -> memref<1x2x2x8x128xi32, #tpu.memory_space<hbm>>
        %dma_start3A_479 = tpu.memref_squeeze %dma_start3A_478 : memref<1x2x2x8x128xi32, #tpu.memory_space<hbm>> -> memref<2x2x8x128xi32, #tpu.memory_space<hbm>>
        %dma_start3A_480 = arith.constant 0 : i32
        %dma_start3A_481 = arith.constant 0 : i32
        %dma_start3A_482 = arith.constant 0 : i32
        %dma_start3A_483 = arith.constant 0 : i32
        %dma_start3A_484 = tpu.memref_slice %arg6[%dma_start3A_468, %dma_start3A_480, %dma_start3A_481, %dma_start3A_482, %dma_start3A_483] : memref<2x2x2x8x128xi32, #tpu.memory_space<vmem>> -> memref<1x2x2x8x128xi32, #tpu.memory_space<vmem>>
        %dma_start3A_485 = tpu.memref_squeeze %dma_start3A_484 : memref<1x2x2x8x128xi32, #tpu.memory_space<vmem>> -> memref<2x2x8x128xi32, #tpu.memory_space<vmem>>
        %dma_start3A_486 = arith.constant 0 : i32
        %dma_start3A_487 = arith.constant 0 : i32
        %dma_start3A_488 = arith.constant 0 : i32
        %dma_start3A_489 = tpu.memref_slice %arg2[%add3A_449, %mul3A_467, %dma_start3A_486, %dma_start3A_487, %dma_start3A_488] : memref<64x32x2x8x128xi32, #tpu.memory_space<hbm>> -> memref<1x2x2x8x128xi32, #tpu.memory_space<hbm>>
        %dma_start3A_490 = tpu.memref_squeeze %dma_start3A_489 : memref<1x2x2x8x128xi32, #tpu.memory_space<hbm>> -> memref<2x2x8x128xi32, #tpu.memory_space<hbm>>
        tpu.enqueue_dma source(%dma_start3A_490 : memref<2x2x8x128xi32, #tpu.memory_space<hbm>>) target(%dma_start3A_485 : memref<2x2x8x128xi32, #tpu.memory_space<vmem>>) target_semaphore(%arg9 : memref<!tpu.dma_semaphore, #tpu.memory_space<semaphore_mem>>)
      } else {
      }
    }
    %scan3A_62 = arith.constant 16 : i32
    %mul3A_63 = arith.constant 2 : i32
    %mul3A_64 = arith.muli %add3A, %mul3A_63 : i32
    %add3A_65 = arith.constant 1 : i32
    %add3A_66 = arith.addi %mul3A_64, %add3A_65 : i32
    %dma_wait3A = arith.constant 0 : i32
    %dma_wait3A_67 = arith.constant 0 : i32
    %dma_wait3A_68 = arith.constant 0 : i32
    %dma_wait3A_69 = arith.constant 0 : i32
    %dma_wait3A_70 = arith.constant 0 : i32
    %dma_wait3A_71 = tpu.memref_slice %arg7[%dma_wait3A, %dma_wait3A_67, %dma_wait3A_68, %dma_wait3A_69, %dma_wait3A_70] : memref<2x16x2x8x128xf32, #tpu.memory_space<vmem>> -> memref<1x16x2x8x128xf32, #tpu.memory_space<vmem>>
    %dma_wait3A_72 = tpu.memref_squeeze %dma_wait3A_71 : memref<1x16x2x8x128xf32, #tpu.memory_space<vmem>> -> memref<16x2x8x128xf32, #tpu.memory_space<vmem>>
    %dma_wait3A_73 = arith.constant 224 : i32
    %dma_wait3A_74 = arith.constant 0 : i32
    %dma_wait3A_75 = arith.constant 0 : i32
    %dma_wait3A_76 = arith.constant 0 : i32
    %dma_wait3A_77 = tpu.memref_slice %arg4[%add3A_66, %dma_wait3A_73, %dma_wait3A_74, %dma_wait3A_75, %dma_wait3A_76] : memref<64x256x2x8x128xf32, #tpu.memory_space<hbm>> -> memref<1x16x2x8x128xf32, #tpu.memory_space<hbm>>
    %dma_wait3A_78 = tpu.memref_squeeze %dma_wait3A_77 : memref<1x16x2x8x128xf32, #tpu.memory_space<hbm>> -> memref<16x2x8x128xf32, #tpu.memory_space<hbm>>
    %dma_wait3A_79 = arith.constant 224 : i32
    %dma_wait3A_80 = arith.constant 0 : i32
    %dma_wait3A_81 = arith.constant 0 : i32
    %dma_wait3A_82 = arith.constant 0 : i32
    %dma_wait3A_83 = tpu.memref_slice %arg4[%add3A_66, %dma_wait3A_79, %dma_wait3A_80, %dma_wait3A_81, %dma_wait3A_82] : memref<64x256x2x8x128xf32, #tpu.memory_space<hbm>> -> memref<1x16x2x8x128xf32, #tpu.memory_space<hbm>>
    %dma_wait3A_84 = tpu.memref_squeeze %dma_wait3A_83 : memref<1x16x2x8x128xf32, #tpu.memory_space<hbm>> -> memref<16x2x8x128xf32, #tpu.memory_space<hbm>>
    %dma_wait3A_85 = arith.constant 0 : i32
    %dma_wait3A_86 = arith.constant 0 : i32
    %dma_wait3A_87 = arith.constant 0 : i32
    %dma_wait3A_88 = arith.constant 0 : i32
    %dma_wait3A_89 = tpu.memref_slice %arg7[%dma_wait3A, %dma_wait3A_85, %dma_wait3A_86, %dma_wait3A_87, %dma_wait3A_88] : memref<2x16x2x8x128xf32, #tpu.memory_space<vmem>> -> memref<1x16x2x8x128xf32, #tpu.memory_space<vmem>>
    %dma_wait3A_90 = tpu.memref_squeeze %dma_wait3A_89 : memref<1x16x2x8x128xf32, #tpu.memory_space<vmem>> -> memref<16x2x8x128xf32, #tpu.memory_space<vmem>>
    tpu.wait_dma2 semaphore(%arg10 : memref<!tpu.dma_semaphore, #tpu.memory_space<semaphore_mem>>) src(%dma_wait3A_90 : memref<16x2x8x128xf32, #tpu.memory_space<vmem>>) dst(%dma_wait3A_84 : memref<16x2x8x128xf32, #tpu.memory_space<hbm>>)
    %mul3A_91 = arith.constant 2 : i32
    %mul3A_92 = arith.muli %add3A, %mul3A_91 : i32
    %add3A_93 = arith.constant 1 : i32
    %add3A_94 = arith.addi %mul3A_92, %add3A_93 : i32
    %dma_wait3A_95 = arith.constant 1 : i32
    %dma_wait3A_96 = arith.constant 0 : i32
    %dma_wait3A_97 = arith.constant 0 : i32
    %dma_wait3A_98 = arith.constant 0 : i32
    %dma_wait3A_99 = arith.constant 0 : i32
    %dma_wait3A_100 = tpu.memref_slice %arg7[%dma_wait3A_95, %dma_wait3A_96, %dma_wait3A_97, %dma_wait3A_98, %dma_wait3A_99] : memref<2x16x2x8x128xf32, #tpu.memory_space<vmem>> -> memref<1x16x2x8x128xf32, #tpu.memory_space<vmem>>
    %dma_wait3A_101 = tpu.memref_squeeze %dma_wait3A_100 : memref<1x16x2x8x128xf32, #tpu.memory_space<vmem>> -> memref<16x2x8x128xf32, #tpu.memory_space<vmem>>
    %dma_wait3A_102 = arith.constant 240 : i32
    %dma_wait3A_103 = arith.constant 0 : i32
    %dma_wait3A_104 = arith.constant 0 : i32
    %dma_wait3A_105 = arith.constant 0 : i32
    %dma_wait3A_106 = tpu.memref_slice %arg4[%add3A_94, %dma_wait3A_102, %dma_wait3A_103, %dma_wait3A_104, %dma_wait3A_105] : memref<64x256x2x8x128xf32, #tpu.memory_space<hbm>> -> memref<1x16x2x8x128xf32, #tpu.memory_space<hbm>>
    %dma_wait3A_107 = tpu.memref_squeeze %dma_wait3A_106 : memref<1x16x2x8x128xf32, #tpu.memory_space<hbm>> -> memref<16x2x8x128xf32, #tpu.memory_space<hbm>>
    %dma_wait3A_108 = arith.constant 240 : i32
    %dma_wait3A_109 = arith.constant 0 : i32
    %dma_wait3A_110 = arith.constant 0 : i32
    %dma_wait3A_111 = arith.constant 0 : i32
    %dma_wait3A_112 = tpu.memref_slice %arg4[%add3A_94, %dma_wait3A_108, %dma_wait3A_109, %dma_wait3A_110, %dma_wait3A_111] : memref<64x256x2x8x128xf32, #tpu.memory_space<hbm>> -> memref<1x16x2x8x128xf32, #tpu.memory_space<hbm>>
    %dma_wait3A_113 = tpu.memref_squeeze %dma_wait3A_112 : memref<1x16x2x8x128xf32, #tpu.memory_space<hbm>> -> memref<16x2x8x128xf32, #tpu.memory_space<hbm>>
    %dma_wait3A_114 = arith.constant 0 : i32
    %dma_wait3A_115 = arith.constant 0 : i32
    %dma_wait3A_116 = arith.constant 0 : i32
    %dma_wait3A_117 = arith.constant 0 : i32
    %dma_wait3A_118 = tpu.memref_slice %arg7[%dma_wait3A_95, %dma_wait3A_114, %dma_wait3A_115, %dma_wait3A_116, %dma_wait3A_117] : memref<2x16x2x8x128xf32, #tpu.memory_space<vmem>> -> memref<1x16x2x8x128xf32, #tpu.memory_space<vmem>>
    %dma_wait3A_119 = tpu.memref_squeeze %dma_wait3A_118 : memref<1x16x2x8x128xf32, #tpu.memory_space<vmem>> -> memref<16x2x8x128xf32, #tpu.memory_space<vmem>>
    tpu.wait_dma2 semaphore(%arg11 : memref<!tpu.dma_semaphore, #tpu.memory_space<semaphore_mem>>) src(%dma_wait3A_119 : memref<16x2x8x128xf32, #tpu.memory_space<vmem>>) dst(%dma_wait3A_113 : memref<16x2x8x128xf32, #tpu.memory_space<hbm>>)
    return
  }
}

</mosaic_0001>

<sc_bundles>
// kernel: kernel.3.cloned.1.call-start
scs
__scs_entry_jumppad:
0x0: {  	(pc) =	sbr.rel $0x88, $3  }
0x1: {  	(tag) =	ssettag $0x0;
	lr =	simm.s32 $0x1  }
0x2: {  	[smem:$0x3F9F] =	sst lr;
	_ =	strace $0xD0000000  }
0x3: {  	_ = 	snop  }
0x4: {  	_ = 	snop  }
0x5: {  	_ = 	snop  }
0x6: {  	_ = 	snop  }
0x7: {  	_ = 	snop  }
__scs_overlays_trampoline_lowered:
0x8: {  	[smem:$0x3FAE] =	sst s0  }
0x9: {  	[smem:$0x3FAF] =	sst s1  }
0xa: {  	[smem:$0x3FB0] =	sst s2  }
0xb: {  	[smem:$0x3FB1] =	sst s3  }
0xc: {  	[smem:$0x3FB2] =	sst s4  }
0xd: {  	[smem:$0x3FB3] =	sst s5  }
0xe: {  	[smem:$0x3FB4] =	sst s6  }
0xf: {  	[smem:$0x3FB5] =	sst s7  }
0x10: {  	[smem:$0x3FB6] =	sst s8  }
0x11: {  	[smem:$0x3FB7] =	sst s9;
	s0 =	simm.s32 @!p0 $0x0  }
0x12: {  	s1 =	sld [smem:$0x3F9D];
	s0 =	simm.s32 @p0 $0x1  }
0x13: {  	[smem:$0x3FB8] =	sst s0;
	s0 =	simm.s32 @!p1 $0x0  }
0x14: {  	s2 =	sld [smem:$0x3F9C];
	s0 =	simm.s32 @p1 $0x1  }
0x15: {  	[smem:$0x3FB9] =	sst s0;
	s0 =	simm.s32 @!p2 $0x0  }
0x16: {  	s3 =	sld [smem:$0x3FDB];
	s0 =	simm.s32 @p2 $0x1  }
0x17: {  	s4 =	simm.s32 $0x1BF5;
	[smem:$0x3FBB] =	sst s0  }
0x18: {  	s0 =	sld [smem:$0x3F9E];
	_ =	swait.ge [sflag:s4], $0x0  }
0x19: {  	s7 =	sld [smem:$0x3F9F]  }
0x1a: {  	s8 =	sadd.s32 $0xFFFFE003, lr  }
0x1b: {  	s9 =	sadd.s32 $0xFFFFFEF7, lr;
	s5 =	simm.s32 $0xFFFFFFFF;
	p2 =	slt.u32 s8, $0xFFFFF086  }
0x1c: {  	p1 =	slt.u32 s9, $0xF7A;
	s5 =	simm.s32 @!p2 $0x0  }
0x1d: {  	s5 =	simm.s32 @p1 $0x1;
	p0 =	seq.s32 s7, s2  }
0x1e: {  	s7 =	smul.u32 @!p0 $0xF7A, s2;
	p2 =	seq.s32 @!p0 s5, $0x0  }
0x1f: {  	s9 =	smul.u32 $0xF7A, s1;
	s8 =	simm.s32 @!p0 $0x1BF5;
	p2 =	por !p2, p0  }
0x20: {  	[sflag:s8] =	ssyncset.s32 @!p0 $0xFFFFF086;
	s6 =	sadd.s32 @!p0 s3, s7;
	s7 =	simm.s32 @!p0 $0x108  }
0x21: {  	s3 =	sadd.s32 s3, s9;
	s6 =	sadd.s32 @!p0 $0x88, s6;
	s7 =	simm.s32 @p2 $0x1082  }
0x22: {  	[simem:s7], [sflag:s8] =	dma.local @!p0 [hbm:s6], $0xF7A  }
0x23: {  	s9 =	sor.u32 $0xD0000000, s2;
	s6 =	simm.s32 $0x108;
	_ =	swait.ge @!p0 [sflag:s8], $0x0  }
0x24: {  	s3 =	sadd.s32 $0x88, s3;
	s6 =	simm.s32 @!p1 $0x1082;
	[sflag:s4] =	ssyncset.s32 $0xFFFFF086  }
0x25: {  	[simem:s6], [sflag:s4] =	dma.local [hbm:s3], $0xF7A  }
0x26: {  	[smem:$0x3F9F] =	sst s1;
	(tag) =	ssettag s2;
	_ =	strace s9  }
0x27: {  	s1 =	sld [smem:$0x3FAF]  }
0x28: {  	s2 =	sld [smem:$0x3FB0]  }
0x29: {  	s4 =	sld [smem:$0x3FB2]  }
0x2a: {  	p0 =	seq.s32 s5, $0x0;
	s5 =	sld [smem:$0x3FB3]  }
0x2b: {  	s6 =	sld [smem:$0x3FB4]  }
0x2c: {  	s7 =	sld [smem:$0x3FB5]  }
0x2d: {  	s3 =	simm.s32 $0x108;
	s8 =	sld [smem:$0x3FB6]  }
0x2e: {  	s3 =	simm.s32 @!p0 $0x1082;
	s9 =	sld [smem:$0x3FB7]  }
0x2f: {  	lr =	sadd.s32 s0, s3;
	s0 =	sld [smem:$0x3FAE]  }
0x30: {  	s3 =	sld [smem:$0x3FB1]  }
0x31: {  	[smem:$0x3FBA] =	sst s10  }
0x32: {  	s10 =	sld [smem:$0x3FB8];
	_ =	sdelay $0x3  }
0x33: {  	p0 =	seq.s32 s10, $0x1;
	s10 =	sld [smem:$0x3FBA];
	_ =	sdelay $0x3  }
0x34: {  	[smem:$0x3FBA] =	sst s10  }
0x35: {  	s10 =	sld [smem:$0x3FB9];
	_ =	sdelay $0x3  }
0x36: {  	p1 =	seq.s32 s10, $0x1;
	s10 =	sld [smem:$0x3FBA];
	_ =	sdelay $0x3  }
0x37: {  	[smem:$0x3FBA] =	sst s10  }
0x38: {  	s10 =	sld [smem:$0x3FBB]  }
0x39: {  	_ = 	snop;
	(pc) =	sbr.ind lr, $3  }
0x3a: {  	_ = 	snop  }
0x3b: {  	_ = 	snop  }
0x3c: {  	p2 =	seq.s32 s10, $0x1;
	s10 =	sld [smem:$0x3FBA]  }
0x3d: {  	_ =	shalt  }
0x3e: {  	_ =	shalt  }
0x3f: {  	_ =	shalt  }
0x40: {  	_ =	shalt  }
0x41: {  	_ =	shalt  }
0x42: {  	_ =	shalt  }
0x43: {  	_ =	shalt  }
0x44: {  	_ =	shalt  }
0x45: {  	_ =	shalt  }
0x46: {  	_ =	shalt  }
0x47: {  	_ =	shalt  }
0x48: {  	_ =	shalt  }
0x49: {  	_ =	shalt  }
0x4a: {  	_ =	shalt  }
0x4b: {  	_ =	shalt  }
0x4c: {  	_ =	shalt  }
0x4d: {  	_ =	shalt  }
0x4e: {  	_ =	shalt  }
0x4f: {  	_ =	shalt  }
0x50: {  	_ =	shalt  }
0x51: {  	_ =	shalt  }
0x52: {  	_ =	shalt  }
0x53: {  	_ =	shalt  }
0x54: {  	_ =	shalt  }
0x55: {  	_ =	shalt  }
0x56: {  	_ =	shalt  }
0x57: {  	_ =	shalt  }
0x58: {  	_ =	shalt  }
0x59: {  	_ =	shalt  }
0x5a: {  	_ =	shalt  }
0x5b: {  	_ =	shalt  }
0x5c: {  	_ =	shalt  }
0x5d: {  	_ =	shalt  }
0x5e: {  	_ =	shalt  }
0x5f: {  	_ =	shalt  }
0x60: {  	_ =	shalt  }
0x61: {  	_ =	shalt  }
0x62: {  	_ =	shalt  }
0x63: {  	_ =	shalt  }
0x64: {  	_ =	shalt  }
0x65: {  	_ =	shalt  }
0x66: {  	_ =	shalt  }
0x67: {  	_ =	shalt  }
0x68: {  	_ =	shalt  }
0x69: {  	_ =	shalt  }
0x6a: {  	_ =	shalt  }
0x6b: {  	_ =	shalt  }
0x6c: {  	_ =	shalt  }
0x6d: {  	_ =	shalt  }
0x6e: {  	_ =	shalt  }
0x6f: {  	_ =	shalt  }
0x70: {  	_ =	shalt  }
0x71: {  	_ =	shalt  }
0x72: {  	_ =	shalt  }
0x73: {  	_ =	shalt  }
0x74: {  	_ =	shalt  }
0x75: {  	_ =	shalt  }
0x76: {  	_ =	shalt  }
0x77: {  	_ =	shalt  }
0x78: {  	_ =	shalt  }
0x79: {  	_ =	shalt  }
0x7a: {  	_ =	shalt  }
0x7b: {  	_ =	shalt  }
0x7c: {  	_ =	shalt  }
0x7d: {  	_ =	shalt  }
0x7e: {  	_ =	shalt  }
0x7f: {  	_ =	shalt  }
0x80: {  	_ =	shalt  }
0x81: {  	_ =	shalt  }
0x82: {  	_ =	shalt  }
0x83: {  	_ =	shalt  }
0x84: {  	_ =	shalt  }
0x85: {  	_ =	shalt  }
0x86: {  	_ =	shalt  }
0x87: {  	_ =	shalt  }
.Lfunc_end0:
.L_simem_size_0:
called_computation_lowered:
.L_overlay_start_0:
0x88: {  	s2 =	sld [smem:$0x3FD9]  }
0x89: {  	s3 =	sld [smem:$0x3FFE];
	_ =	sdelay $0x1  }
0x8a: {  	s1 =	srdreg.scid  }
0x8b: {  	s0 =	sand.u32 $0x1, s1  }
0x8c: {  	s17 =	sshll.u32 s0, $0xA;
	s2 =	sadd.s32 s3, s2  }
0x8d: {  	s2 =	sadd.s32 s2, s17  }
0x8e: {  	[smem:$0x3FC6] =	sst s2  }
0x8f: {  	_ = 	snop  }
0x90: {  	s2 =	sld [smem:$0x3FC9]  }
0x91: {  	s18 =	sld [smem:$0x3FD0];
	(tm) =	ssettm $0x1  }
0x92: {  	s4 =	sld [smem:$0x3FFB];
	_ =	sdelay $0x3  }
0x93: {  	_ =	strace s4  }
0x94: {  	s4 =	sld [smem:$0x3FFC];
	_ =	sdelay $0x3  }
0x95: {  	_ =	strace s4  }
0x96: {  	s4 =	sld [smem:$0x3FFD];
	_ =	sdelay $0x3  }
0x97: {  	_ =	strace s4  }
0x98: {  	_ =	strace $0x8FFFFFFF  }
0x99: {  	s19 =	sld [smem:$0x3FDB];
	_ =	sdelay $0x1  }
0x9a: {  	s5 =	simm.s32 $_scs_section_size  }
0x9b: {  	s6 =	simm.s32 $_size__tile_overlayer_lowered;
	s7 =	simm.s32 $_tile_overlayer_lowered  }
0x9c: {  	s22 =	simm.s32 $0x1BFF;
	s21 =	sshll.u32 s7, $0x1;
	s4 =	sadd.s32 s5, s19  }
0x9d: {  	s8 =	simm.s32 $0x0;
	s20 =	sshll.u32 s6, $0x1;
	s6 =	sadd.s32 s21, s4  }
0x9e: {  	[timem:s8], [sflag:s22] =	dma.local [hbm:s6], s20  }
0x9f: {  	_ =	swait.ge [sflag:s22], s20  }
0xa0: {  	s5 =	ssub.s32 $0x0, s20;
	[sflag:s22] =	ssyncset.done $0x0  }
0xa1: {  	[sflag:s22] =	ssyncadd.s32 s5;
	_ =	sdelay $0x1  }
0xa2: {  	s23 =	simm.s32 $0x1B8B  }
0xa3: {  	_ =	swait.ge [sflag:s23], $0x1  }
0xa4: {  	[sflag:s23] =	ssyncset.done $0x0  }
0xa5: {  	s25 =	simm.s32 $0x1B8E;
	s24 =	sld [smem:$0x3FFE];
	[sflag:s23] =	ssyncadd.s32 $0xFFFFFFFF  }
0xa6: {  	s26 =	simm.s32 $execute0_lowered;
	[smem:$0x3FD2] =	sst s25  }
0xa7: {  	s6 =	sshll.u32 s26, $0x1;
	_ =	strace $0x80000046;
	[dreg:$0x1] =	wrdreg $0xFFFFFFFF  }
0xa8: {  	s28 =	simm.s32 $_size_execute0_lowered;
	s4 =	sadd.s32 s4, s6;
	[dreg:$0x0] =	wrdreg $0x0  }
0xa9: {  	s6 =	sshll.u32 s28, $0x1;
	[dreg:$0x2] =	wrdreg s4  }
0xaa: {  	[dreg:$0x3] =	wrdreg s6  }
0xab: {  	[dreg:$0x4] =	wrdreg $0xC0  }
0xac: {  	_ =	task [dreg:s8], $0x5FFFF  }
0xad: {  	[dreg:$0x1] =	wrdreg $0xFFFFFFFF  }
0xae: {  	[dreg:$0x0] =	wrdreg $0x60  }
0xaf: {  	[dreg:$0x2] =	wrdreg s2  }
0xb0: {  	[dreg:$0x3] =	wrdreg s24  }
0xb1: {  	[dreg:$0x4] =	wrdreg s18  }
0xb2: {  	[dreg:$0x5] =	wrdreg $0x9  }
0xb3: {  	_ =	task.clear_ibuf [dreg:s8], $0x6FFFF;
	_ =	strace $0x90000046  }
0xb4: {  	s29 =	simm.s32 $0x9;
	_ =	strace $0x80000048  }
0xb5: {  	_ =	swait.ge [sflag:s29], $0x1  }
0xb6: {  	[sflag:s29] =	ssyncadd.s32 $0xFFFFFFFF  }
0xb7: {  	_ =	strace $0x90000048  }
0xb8: {  	_ =	sfence  }
0xb9: {  	s30 =	sld [smem:$0x0];
	_ =	sdelay $0x2  }
0xba: {  	s31 =	sshll.u32 s1, $0xD;
	s1 =	sshrl.u32 s1, $0x2  }
0xbb: {  	s3 =	sand.u32 $0x4000, s31;
	s1 =	sadd.s32 s1, s30  }
0xbc: {  	s0 =	sor.u32 s3, s0;
	s1 =	sshll.u32 s1, $0x11  }
0xbd: {  	s0 =	sor.u32 s1, s0  }
0xbe: {  	s0 =	sadd.s32 $0x8F2B, s0  }
0xbf: {  	[sflag:s0] =	ssyncadd.remote.s32 $0x1  }
0xc0: {  	_ =	sfence.sel $0xFFFF  }
0xc1: {  	[dreg:$0x0] =	wrdreg $0xFFFFFFFF;
	(pc) =	sbr.abs _section_cstart, $3  }
0xc2: {  	[dreg:$0x1] =	wrdreg $0xFFFFFFFF  }
0xc3: {  	_ =	task.clear_ibuf [dreg:s8], $0x2FFFF;
	_ =	strace $0x9FFFFFFF  }
0xc4: {  	(tm) =	ssettm $0x7FFFFFFF  }
0xc5: {  	_ =	shalt  }
tec
execute0_lowered:
.L_overlay_start_1:
0x0: {  	(tag) =	ssettag $0x1  }
0x1: {  	s1 =	rddreg [dreg:$0x0]  }
0x2: {  	s0 =	rddreg [dreg:$0x1]  }
0x3: {  	s3 =	rddreg [dreg:$0x2];
	s2 =	srdreg.scid  }
0x4: {  	s5 =	stileid.u32;
	s4 =	simm.s32 $0x0;
	s13 =	simm.s32 $0x1  }
0x5: {  	s14 =	simm.s32 $0x5300;
	s2 =	sand.u32 $0x1, s2;
	s5 =	sshll.u32 s5, $0x2  }
0x6: {  	[smem:$0x7FF] =	sst s4;
	s0 =	sadd.s32 $0x400, s0;
	s6 =	sshll.u32 s2, $0x1  }
0x7: {  	s2 =	ssub.s32 $0x2, s2;
	_ =	strace $0x80000047;
	s5 =	sor.u32 s6, s5  }
.Ltmp0:
0x8: {  	s29 =	sshrl.u32 s2, $0x1;
	s7 =	sshll.u32 s5, $0xD;
	(pc) =	sbr.rel .LBB2_1-.Ltmp0, $4  }
0x9: {  	v8 =	vlaneseq.u32;
	[dreg:$0x4] =	wrdreg s0;
	s30 =	ssub.s32 s2, s29;
	s31 =	sadd.s32 s1, s7  }
0xa: {  	s15 =	simm.s32 $0x2;
	v0 =	vor.u32 $0x80, v8;
	v1 =	vand.u32 $0x7, v8;
	v2 =	vor.u32 $0x90, v8;
	s0 =	smax.u32 s30, $0x1;
	[dreg:$0x5] =	wrdreg s31  }
0xb: {  	s16 =	simm.s32 $0x4;
	v3 =	vor.u32 $0xA0, v8;
	v4 =	vor.u32 $0xB0, v8;
	v5 =	vor.u32 $0xC0, v8;
	s2 =	sadd.s32 $0x200, s31;
	[dreg:$0x7] =	wrdreg s0  }
0xc: {  	s17 =	simm.s32 $0xD300;
	v6 =	vor.u32 $0xD0, v8;
	v7 =	vor.u32 $0xE0, v8;
	v8 =	vor.u32 $0xF0, v8;
	[dreg:$0x6] =	wrdreg s2;
	s2 =	simm.s32 $0x0  }
.LBB2_12:
0xd: {  	s0 =	simm.s32 $0x3  }
0xe: {  	_ =	swait.ge [sflag:s0], $0x8000  }
0xf: {  	[sflag:s0] =	ssyncset.done $0x0  }
0x10: {  	[sflag:s0] =	ssyncadd.s32 $0xFFFF8000  }
0x11: {  	_ =	swait.ge [sflag:s16], $0x8000  }
0x12: {  	s2 =	rddreg [dreg:$0x8]  }
0x13: {  	s31 =	rddreg [dreg:$0x7];
	s2 =	sadd.s32 $0x1, s2  }
0x14: {  	p0 =	sne.s32 s2, s31  }
.Ltmp1:
0x15: {  	_ = 	snop;
	(pc) =	sbr.rel @!p0 .LBB2_13-.Ltmp1, $3  }
0x16: {  	_ =	sdelay $0x1  }
0x17: {  	[sflag:s16] =	ssyncset.done $0x0  }
0x18: {  	[sflag:s16] =	ssyncadd.s32 $0xFFFF8000  }
.LBB2_1:
0x19: {  	[dreg:$0x8] =	wrdreg s2  }
0x1a: {  	s0 =	rddreg [dreg:$0x4];
	s26 =	simm.s32 $0x5  }
0x1b: {  	[tilespmem:s4], [sflag:$0x5] =	stream.linear.gather [hbm4b:s0+s4], $0x3300, $0x38;
	[tilespmem:$0x15300] =	vst v63  }
0x1c: {  	_ =	swait.ge [sflag:s26], $0x3300  }
0x1d: {  	[sflag:s26] =	ssyncset.done $0x0  }
0x1e: {  	s29 =	simm.s32 $0x3300;
	s28 =	rddreg [dreg:$0x5];
	[sflag:s26] =	ssyncadd.s32 $0xFFFFCD00  }
0x1f: {  	[tilespmem:s29], [sflag:$0x1] =	stream.linear.gather [hbm4b:s28+s4], $0x1000, $0x38;
	[tilespmem:$0x15300] =	vst v63  }
0x20: {  	s31 =	simm.s32 $0x4300;
	s20 =	simm.s32 $0x0;
	s30 =	rddreg [dreg:$0x6]  }
0x21: {  	[tilespmem:s31], [sflag:$0x2] =	stream.linear.gather [hbm4b:s30+s4], $0x1000, $0x38;
	[tilespmem:$0x15300] =	vst v63  }
.LBB2_2:
0x22: {  	_ =	swait.ge [sflag:s13], $0x1000  }
0x23: {  	s0 =	simm.s32 $0x0;
	p0 =	seq.s32 s20, $0x0;
	s2 =	simm.s32 $0x0  }
0x24: {  	s23 =	simm.s32 $0x0;
	[sflag:s13] =	ssyncset.done $0x0;
	s8 =	sand.u32 $0x7, s0  }
0x25: {  	s2 =	sand.u32 $0x3FFFF800, s2;
	s9 =	simm.s32 @!p0 $0x3;
	s6 =	sshll.u32 s8, $0x7  }
0x26: {  	s7 =	sand.u32 $0x400, s23;
	[sflag:s13] =	ssyncadd.s32 $0xFFFFF000;
	s2 =	sor.u32 s6, s2  }
0x27: {  	_ =	swait.ge @!p0 [sflag:s9], $0x8000;
	s2 =	sor.u32 s7, s2  }
0x28: {  	s0 =	sand.u32 $0x40, s23;
	[sflag:s9] =	ssyncset.done @!p0 $0x0;
	s10 =	sadd.s32 $0x3300, s2  }
0x29: {  	[sflag:s9] =	ssyncadd.s32 @!p0 $0xFFFF8000;
	s2 =	sor.u32 $0x10, s0;
	s24 =	sor.u32 s0, s10  }
0x2a: {  	s26 =	sor.u32 $0x20, s0;
	s25 =	sor.u32 s2, s10;
	v9 =	vld [tilespmem:s24+$0x0]  }
0x2b: {  	s18 =	sor.u32 s26, s10;
	v10 =	vld [tilespmem:s25+$0x0]  }
0x2c: {  	s6 =	sor.u32 $0x30, s0;
	v11 =	vld [tilespmem:s18+$0x0]  }
0x2d: {  	s10 =	sor.u32 s6, s10  }
0x2e: {  	v12 =	vld [tilespmem:s10+$0x0];
	_ =	sdelay $0x1  }
0x2f: {  	v13 =	vshra.s32 v9, $0x1F  }
0x30: {  	v14 =	vshra.s32 v11, $0x1F;
	v9 =	vor.u32 v13, v9;
	v13 =	vshra.s32 v10, $0x1F  }
0x31: {  	v11 =	vor.u32 v14, v11;
	vm0 =	vlt.s32 v9, $0x64;
	v10 =	vor.u32 v13, v10  }
0x32: {  	v13 =	vshra.s32 v12, $0x1F;
	vm10 =	vlt.s32 v11, $0x64;
	v9 =	vnsel vm0, $0x64, v9  }
0x33: {  	vm1 =	vlt.s32 v10, $0x64;
	v12 =	vor.u32 v13, v12;
	v11 =	vnsel vm10, $0x64, v11  }
0x34: {  	v10 =	vnsel vm1, $0x64, v10;
	vm11 =	vlt.s32 v12, $0x64;
	v11 =	vshll.u32 v11, $0x7  }
0x35: {  	v9 =	vshll.u32 v9, $0x7;
	v12 =	vnsel vm11, $0x64, v12;
	v13 =	vadd.s32 v0, v11  }
0x36: {  	v14 =	vadd.s32 v2, v11;
	v18 =	vadd.s32 v0, v9;
	v19 =	vadd.s32 v4, v9  }
0x37: {  	v20 =	vadd.s32 v2, v9;
	v21 =	vshll.u32 v10, $0x7;
	v10 =	vadd.s32 v5, v11  }
0x38: {  	v22 =	vadd.s32 v5, v9;
	v23 =	vadd.s32 v4, v11;
	v32 =	vadd.s32 v6, v11  }
0x39: {  	v33 =	vadd.s32 v3, v11;
	v40 =	vadd.s32 v7, v9;
	v12 =	vshll.u32 v12, $0x7  }
0x3a: {  	v13 =	vand.u32 $0xFFFFFF88, v13;
	v18 =	vand.u32 $0xFFFFFF88, v18;
	v24 =	vadd.s32 v0, v21  }
0x3b: {  	v23 =	vand.u32 $0xFFFFFFB8, v23;
	v25 =	vand.u32 $0xFFFFFFC8, v10;
	v10 =	vadd.s32 v3, v9  }
0x3c: {  	v14 =	vand.u32 $0xFFFFFF98, v14;
	v20 =	vand.u32 $0xFFFFFF98, v20;
	v27 =	vadd.s32 v3, v21  }
0x3d: {  	v19 =	vand.u32 $0xFFFFFFB8, v19;
	v32 =	vand.u32 $0xFFFFFFD8, v32;
	v22 =	vand.u32 $0xFFFFFFC8, v22  }
0x3e: {  	v15 =	vadd.s32 v0, v12;
	v16 =	vadd.s32 v2, v12;
	v13 =	vor.u32 v1, v13  }
0x3f: {  	v17 =	vadd.s32 v8, v12;
	v26 =	vadd.s32 v5, v12;
	v24 =	vand.u32 $0xFFFFFF88, v24  }
0x40: {  	v14 =	vor.u32 v1, v14;
	v27 =	vand.u32 $0xFFFFFFA8, v27;
	v29 =	vadd.s32 v3, v12  }
0x41: {  	v30 =	vor.u32 v1, v20;
	v20 =	vadd.s32 v2, v21;
	v10 =	vand.u32 $0xFFFFFFA8, v10  }
0x42: {  	s11 =	simm.s32 $0x0;
	v18 =	vor.u32 v1, v18;
	v39 =	vadd.s32 v6, v12;
	v23 =	vor.u32 v1, v23  }
0x43: {  	s8 =	sshll.u32 s8, $0xB;
	s10 =	sand.u32 $0x3FFFC000, s11;
	v42 =	vor.u32 v1, v19;
	v32 =	vor.u32 v1, v32;
	v25 =	vor.u32 v1, v25  }
0x44: {  	s8 =	sor.u32 s8, s10;
	v15 =	vand.u32 $0xFFFFFF88, v15;
	v28 =	vor.u32 v1, v24;
	v16 =	vand.u32 $0xFFFFFF98, v16  }
0x45: {  	s19 =	simm.s32 $0x0;
	s21 =	simm.s32 $0x40;
	s7 =	sor.u32 s7, s8;
	v24 =	vadd.s32 v4, v12;
	v26 =	vand.u32 $0xFFFFFFC8, v26;
	v20 =	vand.u32 $0xFFFFFF98, v20;
	v13 =	vld.idx.msk [tilespmem:v13+s4+$0x0], $0xffff  }
0x46: {  	s22 =	sand.u32 $0x3FFFF800, s21;
	s9 =	sand.u32 $0x7, s19;
	s12 =	sadd.s32 $0x5300, s7;
	v37 =	vor.u32 v1, v10;
	v17 =	vand.u32 $0xFFFFFFF8, v17;
	v27 =	vor.u32 v1, v27  }
0x47: {  	s24 =	sshll.u32 s9, $0x7;
	s23 =	sor.u32 s26, s12;
	s26 =	simm.s32 $0x200;
	v15 =	vor.u32 v1, v15;
	v31 =	vand.u32 $0xFFFFFFB8, v24;
	v24 =	vadd.s32 v5, v21  }
0x48: {  	s7 =	sor.u32 s24, s22;
	s8 =	sand.u32 $0x400, s26;
	v34 =	vor.u32 v1, v16;
	v16 =	vadd.s32 v6, v9;
	v36 =	vor.u32 v1, v20  }
0x49: {  	s28 =	simm.s32 $0x40;
	s7 =	sor.u32 s8, s7;
	v20 =	vadd.s32 v7, v11;
	v11 =	vadd.s32 v8, v11;
	v9 =	vadd.s32 v8, v9  }
0x4a: {  	s29 =	sand.u32 $0x40, s28;
	s19 =	sadd.s32 $0x3300, s7;
	v26 =	vor.u32 v1, v26;
	v35 =	vand.u32 $0xFFFFFFC8, v24;
	v24 =	vand.u32 $0xFFFFFFA8, v33;
	[tilespmem:s23+$0x0] =	vst v13  }
0x4b: {  	s7 =	sor.u32 s29, s19;
	v16 =	vand.u32 $0xFFFFFFD8, v16;
	v20 =	vand.u32 $0xFFFFFFE8, v20;
	v9 =	vand.u32 $0xFFFFFFF8, v9;
	v10 =	vld.idx.msk [tilespmem:v14+s4+$0x0], $0xffff  }
0x4c: {  	s10 =	sor.u32 $0x20, s29;
	v56 =	vld [tilespmem:s7+$0x0];
	v31 =	vor.u32 v1, v31;
	v33 =	vor.u32 v1, v24;
	v24 =	vadd.s32 v6, v21  }
0x4d: {  	s21 =	sor.u32 s10, s19;
	v41 =	vld.idx.msk [tilespmem:v15+s4+$0x0], $0xffff;
	v14 =	vand.u32 $0xFFFFFFA8, v29;
	v29 =	vand.u32 $0xFFFFFFF8, v11;
	v11 =	vadd.s32 v8, v21  }
0x4e: {  	s31 =	sor.u32 $0x10, s29;
	v19 =	vld [tilespmem:s21+$0x0];
	v38 =	vor.u32 v1, v14;
	v14 =	vand.u32 $0xFFFFFFF8, v11;
	v11 =	vadd.s32 v7, v12  }
0x4f: {  	s25 =	sor.u32 s31, s19;
	v9 =	vor.u32 v1, v9;
	v16 =	vor.u32 v1, v16;
	v28 =	vld.idx.msk [tilespmem:v28+s4+$0x0], $0xffff;
	v11 =	vand.u32 $0xFFFFFFE8, v11  }
0x50: {  	s7 =	sor.u32 $0x30, s29;
	v43 =	vor.u32 v1, v20;
	v12 =	vor.u32 v1, v11;
	v11 =	vor.u32 v1, v17;
	v17 =	vld [tilespmem:s25+$0x0];
	[tilespmem:s23+$0x80] =	vst v10  }
0x51: {  	s22 =	sor.u32 s6, s12;
	s11 =	sor.u32 s7, s19;
	v35 =	vor.u32 v1, v35;
	v24 =	vand.u32 $0xFFFFFFD8, v24;
	v13 =	vadd.s32 v7, v21;
	v33 =	vld.idx.msk [tilespmem:v33+s4+$0x0], $0xffff  }
0x52: {  	v24 =	vor.u32 v1, v24;
	v13 =	vand.u32 $0xFFFFFFE8, v13;
	v20 =	vor.u32 v1, v29;
	[tilespmem:s22+$0x0] =	vst v41;
	v29 =	vld [tilespmem:s11+$0x0]  }
0x53: {  	v15 =	vand.u32 $0xFFFFFFD8, v39;
	v21 =	vadd.s32 v4, v21;
	v13 =	vor.u32 v1, v13;
	v34 =	vld.idx.msk [tilespmem:v34+s4+$0x0], $0xffff;
	s25 =	sor.u32 s2, s12  }
0x54: {  	v18 =	vld.idx.msk [tilespmem:v18+s4+$0x0], $0xffff;
	v21 =	vand.u32 $0xFFFFFFB8, v21;
	v41 =	vor.u32 v1, v22;
	[tilespmem:s25+$0x0] =	vst v28;
	v28 =	vshra.s32 v56, $0x1F  }
0x55: {  	v57 =	vor.u32 v1, v21;
	v10 =	vand.u32 $0xFFFFFFE8, v40;
	v21 =	vld.idx.msk [tilespmem:v36+s4+$0x0], $0xffff;
	v22 =	vor.u32 v28, v56  }
0x56: {  	v10 =	vor.u32 v1, v10;
	vm12 =	vlt.s32 v22, $0x64;
	v28 =	vshra.s32 v17, $0x1F;
	[tilespmem:s23+$0x100] =	vst v33  }
0x57: {  	v22 =	vnsel vm12, $0x64, v22;
	v17 =	vor.u32 v28, v17;
	v28 =	vshra.s32 v19, $0x1F;
	v23 =	vld.idx.msk [tilespmem:v23+s4+$0x0], $0xffff  }
0x58: {  	s24 =	sor.u32 s0, s12;
	[tilespmem:s22+$0x80] =	vst v34;
	vm13 =	vlt.s32 v17, $0x64;
	v19 =	vor.u32 v28, v19;
	v28 =	vshra.s32 v29, $0x1F  }
0x59: {  	[tilespmem:s24+$0x0] =	vst v18;
	vm14 =	vlt.s32 v19, $0x64;
	v28 =	vor.u32 v28, v29;
	v29 =	vld.idx.msk [tilespmem:v38+s4+$0x0], $0xffff;
	v58 =	vnsel vm13, $0x64, v17  }
0x5a: {  	[tilespmem:s25+$0x80] =	vst v21;
	v17 =	vshll.u32 v22, $0x7;
	v18 =	vnsel vm14, $0x64, v19;
	vm15 =	vlt.s32 v28, $0x64;
	v19 =	vld.idx.msk [tilespmem:v30+s4+$0x0], $0xffff  }
0x5b: {  	v27 =	vld.idx.msk [tilespmem:v27+s4+$0x0], $0xffff;
	v44 =	vadd.s32 v2, v17;
	v22 =	vshll.u32 v18, $0x7;
	v18 =	vnsel vm15, $0x64, v28  }
0x5c: {  	v46 =	vadd.s32 v3, v17;
	v28 =	vadd.s32 v0, v22;
	v21 =	vshll.u32 v18, $0x7;
	[tilespmem:s23+$0x180] =	vst v23  }
0x5d: {  	v30 =	vadd.s32 v2, v22;
	v18 =	vand.u32 $0xFFFFFF88, v28;
	v28 =	vadd.s32 v2, v21;
	v59 =	vld.idx.msk [tilespmem:v25+s4+$0x0], $0xffff  }
0x5e: {  	v63 =	vadd.s32 v5, v21;
	v40 =	vadd.s32 v3, v21;
	v60 =	vor.u32 v1, v18;
	[tilespmem:s22+$0x100] =	vst v29  }
0x5f: {  	v30 =	vand.u32 $0xFFFFFF98, v30;
	v18 =	vadd.s32 v8, v21;
	v29 =	vadd.s32 v4, v17;
	v62 =	vld.idx.msk [tilespmem:v31+s4+$0x0], $0xffff;
	[tilespmem:s24+$0x80] =	vst v19  }
0x60: {  	[tilespmem:s25+$0x100] =	vst v27;
	v48 =	vor.u32 v1, v30;
	v49 =	vand.u32 $0xFFFFFF98, v28;
	v23 =	vadd.s32 v0, v21;
	v27 =	vld.idx.msk [tilespmem:v37+s4+$0x0], $0xffff  }
0x61: {  	v19 =	vshll.u32 v58, $0x7;
	v31 =	vadd.s32 v5, v17;
	v45 =	vld.idx.msk [tilespmem:v57+s4+$0x0], $0xffff;
	v28 =	vand.u32 $0xFFFFFFB8, v29  }
0x62: {  	v29 =	vadd.s32 v6, v22;
	v58 =	vadd.s32 v3, v22;
	v23 =	vand.u32 $0xFFFFFF88, v23;
	[tilespmem:s23+$0x200] =	vst v59  }
0x63: {  	s12 =	simm.s32 $0x200;
	v25 =	vadd.s32 v0, v17;
	v33 =	vadd.s32 v0, v19;
	v61 =	vor.u32 v1, v23;
	v32 =	vld.idx.msk [tilespmem:v32+s4+$0x0], $0xffff  }
0x64: {  	s18 =	sshll.u32 s9, $0xB;
	s0 =	sand.u32 $0x3FFFC000, s12;
	v44 =	vand.u32 $0xFFFFFF98, v44;
	v54 =	vadd.s32 v3, v19;
	v56 =	vadd.s32 v2, v19;
	v36 =	vld.idx.msk [tilespmem:v60+s4+$0x0], $0xffff;
	[tilespmem:s22+$0x180] =	vst v62  }
0x65: {  	s0 =	sor.u32 s18, s0;
	v57 =	vadd.s32 v5, v19;
	v23 =	vadd.s32 v5, v22;
	v33 =	vand.u32 $0xFFFFFF88, v33;
	v50 =	vld.idx.msk [tilespmem:v26+s4+$0x0], $0xffff;
	[tilespmem:s24+$0x100] =	vst v27  }
0x66: {  	s0 =	sor.u32 s8, s0;
	v37 =	vand.u32 $0xFFFFFF88, v25;
	v25 =	vadd.s32 v4, v22;
	v47 =	vor.u32 v1, v33;
	[tilespmem:s25+$0x180] =	vst v45;
	v55 =	vld.idx.msk [tilespmem:v42+s4+$0x0], $0xffff  }
0x67: {  	s8 =	sadd.s32 $0x5300, s0;
	v29 =	vand.u32 $0xFFFFFFD8, v29;
	v25 =	vand.u32 $0xFFFFFFB8, v25;
	v23 =	vand.u32 $0xFFFFFFC8, v23;
	v51 =	vld.idx.msk [tilespmem:v35+s4+$0x0], $0xffff  }
0x68: {  	s6 =	sor.u32 s10, s8;
	v33 =	vand.u32 $0xFFFFFFA8, v54;
	v60 =	vand.u32 $0xFFFFFFA8, v58;
	v26 =	vor.u32 v1, v44;
	v38 =	vld.idx.msk [tilespmem:v61+s4+$0x0], $0xffff;
	[tilespmem:s23+$0x280] =	vst v32  }
0x69: {  	v62 =	vand.u32 $0xFFFFFFA8, v46;
	v27 =	vadd.s32 v4, v21;
	[tilespmem:s6+$0x0] =	vst v36;
	v39 =	vld.idx.msk [tilespmem:v43+s4+$0x0], $0xffff;
	v43 =	vor.u32 v1, v49  }
0x6a: {  	v59 =	vadd.s32 v6, v17;
	v35 =	vand.u32 $0xFFFFFFC8, v57;
	v44 =	vor.u32 v1, v60;
	v42 =	vld.idx.msk [tilespmem:v48+s4+$0x0], $0xffff;
	[tilespmem:s22+$0x200] =	vst v50  }
0x6b: {  	v30 =	vand.u32 $0xFFFFFFB8, v27;
	v27 =	vand.u32 $0xFFFFFFC8, v63;
	v61 =	vand.u32 $0xFFFFFF98, v56;
	v45 =	vld.idx.msk [tilespmem:v47+s4+$0x0], $0xffff;
	[tilespmem:s24+$0x180] =	vst v55  }
0x6c: {  	s19 =	sshrl.u32 s20, $0x3;
	s30 =	sor.u32 s7, s8;
	v34 =	vand.u32 $0xFFFFFFD8, v59;
	v63 =	vadd.s32 v7, v22;
	v46 =	vor.u32 v1, v61;
	[tilespmem:s25+$0x200] =	vst v51;
	v41 =	vld.idx.msk [tilespmem:v41+s4+$0x0], $0xffff  }
0x6d: {  	s21 =	sshll.u32 s20, $0x1;
	s2 =	simm.s32 $0x4;
	s0 =	sor.u32 s5, s19;
	v36 =	vand.u32 $0xFFFFFFE8, v63;
	[tilespmem:s30+$0x0] =	vst v38;
	v38 =	vld.idx.msk [tilespmem:v24+s4+$0x0], $0xffff;
	v32 =	vor.u32 v1, v62;
	v24 =	vadd.s32 v6, v19  }
.LBB2_3:
0x6e: {  	s2 =	sadd.s32 $0x4, s2;
	v37 =	vor.u32 v1, v37;
	v31 =	vand.u32 $0xFFFFFFC8, v31;
	s18 =	sor.u32 s31, s8;
	v47 =	vadd.s32 v7, v19;
	v43 =	vld.idx.msk [tilespmem:v43+s4+$0x0], $0xffff;
	[tilespmem:s23+$0x300] =	vst v39  }
0x6f: {  	v22 =	vadd.s32 v8, v22;
	v40 =	vand.u32 $0xFFFFFFA8, v40;
	s7 =	sshrl.u32 s2, $0x4;
	s9 =	sshll.u32 s2, $0x4;
	s10 =	sshll.u32 s2, $0x7;
	v39 =	vand.u32 $0xFFFFFFE8, v47;
	[tilespmem:s6+$0x80] =	vst v42;
	v20 =	vld.idx.msk [tilespmem:v20+s4+$0x0], $0xffff  }
0x70: {  	s26 =	sadd.s32 $0x200, s26;
	v22 =	vand.u32 $0xFFFFFFF8, v22;
	v40 =	vor.u32 v1, v40;
	s7 =	sand.u32 $0x7, s7;
	s9 =	sand.u32 $0x3FFFF800, s9;
	[tilespmem:s18+$0x0] =	vst v45;
	v39 =	vor.u32 v1, v39;
	v42 =	vld.idx.msk [tilespmem:v44+s4+$0x0], $0xffff  }
0x71: {  	s10 =	sand.u32 $0x3FFFC000, s10;
	v45 =	vadd.s32 v8, v19;
	s19 =	sshll.u32 s7, $0x7;
	s7 =	sshll.u32 s7, $0xB;
	v44 =	vld.idx.msk [tilespmem:v46+s4+$0x0], $0xffff;
	v46 =	vadd.s32 v6, v21;
	[tilespmem:s24+$0x200] =	vst v41  }
0x72: {  	s31 =	sand.u32 $0x400, s26;
	v41 =	vadd.s32 v7, v17;
	v45 =	vand.u32 $0xFFFFFFF8, v45;
	s9 =	sor.u32 s19, s9;
	s7 =	sor.u32 s7, s10;
	v46 =	vand.u32 $0xFFFFFFD8, v46;
	v47 =	vld.idx.msk [tilespmem:v16+s4+$0x0], $0xffff;
	[tilespmem:s25+$0x280] =	vst v38  }
0x73: {  	s28 =	sadd.s32 $0x40, s28;
	v17 =	vadd.s32 v8, v17;
	v21 =	vadd.s32 v7, v21;
	v16 =	vand.u32 $0xFFFFFFE8, v41;
	s10 =	sor.u32 s31, s9;
	s9 =	sor.u32 s31, s7;
	v41 =	vld.idx.msk [tilespmem:v13+s4+$0x0], $0xffff;
	v13 =	vmovc v39  }
0x74: {  	p1 =	slt.u32 s2, $0xFC;
	s19 =	sand.u32 $0x40, s28;
	v48 =	vor.u32 v1, v16;
	v16 =	vand.u32 $0xFFFFFFF8, v17;
	v17 =	vand.u32 $0xFFFFFFE8, v21;
	s10 =	sadd.s32 $0x3300, s10;
	v37 =	vld.idx.msk [tilespmem:v37+s4+$0x0], $0xffff;
	[tilespmem:s30+$0x80] =	vst v43  }
0x75: {  	s31 =	sor.u32 $0x10, s19;
	v21 =	vor.u32 v1, v25;
	v39 =	vor.u32 v1, v16;
	v16 =	vand.u32 $0xFFFFFFF8, v18;
	s7 =	sor.u32 s19, s10;
	v25 =	vld.idx.msk [tilespmem:v40+s4+$0x0], $0xffff;
	[tilespmem:s23+$0x380] =	vst v20;
	s23 =	smov.u32 s6  }
0x76: {  	v33 =	vor.u32 v1, v33;
	s6 =	sor.u32 $0x20, s19;
	v40 =	vor.u32 v1, v17;
	v38 =	vor.u32 v1, v16;
	v18 =	vld [tilespmem:s7+$0x0];
	s7 =	sor.u32 s31, s10;
	[tilespmem:s23+$0x100] =	vst v42  }
0x77: {  	v28 =	vor.u32 v1, v28;
	v43 =	vor.u32 v1, v15;
	s11 =	sor.u32 s6, s10;
	v42 =	vor.u32 v1, v14;
	v14 =	vmovc v45;
	v17 =	vld [tilespmem:s7+$0x0];
	s7 =	sor.u32 $0x30, s19  }
0x78: {  	v16 =	vor.u32 v1, v34;
	v34 =	vor.u32 v1, v36;
	v20 =	vor.u32 v1, v22;
	v45 =	vld [tilespmem:s11+$0x0];
	s10 =	sor.u32 s7, s10;
	[tilespmem:s18+$0x80] =	vst v44  }
0x79: {  	v35 =	vor.u32 v1, v35;
	v15 =	vadd.s32 v4, v19;
	v19 =	vor.u32 v1, v30;
	v22 =	vld [tilespmem:s10+$0x0];
	s10 =	sor.u32 s29, s8;
	[tilespmem:s25+$0x300] =	vst v41;
	s29 =	smov.u32 s19  }
0x7a: {  	v29 =	vor.u32 v1, v29;
	v27 =	vor.u32 v1, v27;
	v15 =	vand.u32 $0xFFFFFFB8, v15;
	[tilespmem:s10+$0x0] =	vst v37;
	v21 =	vld.idx.msk [tilespmem:v21+s4+$0x0], $0xffff  }
0x7b: {  	v36 =	vor.u32 v1, v31;
	v30 =	vshra.s32 v18, $0x1F;
	v31 =	vld.idx.msk [tilespmem:v33+s4+$0x0], $0xffff;
	v33 =	vor.u32 v1, v15;
	[tilespmem:s30+$0x100] =	vst v25  }
0x7c: {  	v23 =	vor.u32 v1, v23;
	v18 =	vor.u32 v30, v18;
	v37 =	vshra.s32 v17, $0x1F;
	v25 =	vld.idx.msk [tilespmem:v26+s4+$0x0], $0xffff;
	[tilespmem:s24+$0x280] =	vst v47  }
0x7d: {  	v15 =	vmovc v46;
	vm0 =	vlt.s32 v18, $0x64;
	v17 =	vor.u32 v37, v17;
	v26 =	vshra.s32 v45, $0x1F;
	v30 =	vld.idx.msk [tilespmem:v42+s4+$0x0], $0xffff  }
0x7e: {  	vm1 =	vlt.s32 v17, $0x64;
	v26 =	vor.u32 v26, v45;
	v37 =	vshra.s32 v22, $0x1F;
	v19 =	vld.idx.msk [tilespmem:v19+s4+$0x0], $0xffff  }
0x7f: {  	v18 =	vnsel vm0, $0x64, v18;
	vm0 =	vlt.s32 v26, $0x64;
	v37 =	vor.u32 v37, v22;
	v41 =	vld.idx.msk [tilespmem:v43+s4+$0x0], $0xffff  }
0x80: {  	v42 =	vnsel vm1, $0x64, v17;
	v22 =	vnsel vm0, $0x64, v26;
	vm0 =	vlt.s32 v37, $0x64;
	[tilespmem:s23+$0x180] =	vst v21;
	v26 =	vld.idx.msk [tilespmem:v10+s4+$0x0], $0xffff;
	v10 =	vmovc v48  }
0x81: {  	v17 =	vshll.u32 v18, $0x7;
	v22 =	vshll.u32 v22, $0x7;
	v18 =	vnsel vm0, $0x64, v37;
	[tilespmem:s18+$0x100] =	vst v31;
	v23 =	vld.idx.msk [tilespmem:v23+s4+$0x0], $0xffff  }
0x82: {  	v31 =	vadd.s32 v0, v22;
	v43 =	vadd.s32 v2, v22;
	v21 =	vshll.u32 v18, $0x7;
	[tilespmem:s10+$0x80] =	vst v25;
	v33 =	vld.idx.msk [tilespmem:v33+s4+$0x0], $0xffff  }
0x83: {  	v18 =	vand.u32 $0xFFFFFF88, v31;
	v25 =	vadd.s32 v0, v21;
	v44 =	vadd.s32 v2, v21;
	v32 =	vld.idx.msk [tilespmem:v32+s4+$0x0], $0xffff;
	[tilespmem:s25+$0x380] =	vst v30;
	s25 =	smov.u32 s18  }
0x84: {  	v30 =	vor.u32 v1, v18;
	v25 =	vand.u32 $0xFFFFFF88, v25;
	v18 =	vadd.s32 v8, v21;
	[tilespmem:s30+$0x180] =	vst v19  }
0x85: {  	v45 =	vadd.s32 v4, v17;
	v31 =	vadd.s32 v0, v17;
	v46 =	vor.u32 v1, v25;
	v27 =	vld.idx.msk [tilespmem:v27+s4+$0x0], $0xffff  }
0x86: {  	v47 =	vadd.s32 v2, v17;
	v19 =	vshll.u32 v42, $0x7;
	v42 =	vadd.s32 v5, v22;
	[tilespmem:s22+$0x280] =	vst v41  }
0x87: {  	v37 =	vand.u32 $0xFFFFFF88, v31;
	v31 =	vadd.s32 v5, v17;
	v25 =	vadd.s32 v4, v22;
	[tilespmem:s23+$0x200] =	vst v23;
	v41 =	vld.idx.msk [tilespmem:v12+s4+$0x0], $0xffff  }
0x88: {  	v48 =	vadd.s32 v0, v19;
	v25 =	vand.u32 $0xFFFFFFB8, v25;
	v23 =	vand.u32 $0xFFFFFFC8, v42;
	v12 =	vmovc v40;
	[tilespmem:s25+$0x180] =	vst v33;
	v29 =	vld.idx.msk [tilespmem:v29+s4+$0x0], $0xffff  }
0x89: {  	v49 =	vadd.s32 v3, v17;
	v42 =	vld.idx.msk [tilespmem:v30+s4+$0x0], $0xffff;
	v30 =	vand.u32 $0xFFFFFF98, v43;
	v43 =	vadd.s32 v5, v21;
	[tilespmem:s24+$0x300] =	vst v26  }
0x8a: {  	v40 =	vadd.s32 v3, v19;
	v33 =	vand.u32 $0xFFFFFF88, v48;
	v26 =	vand.u32 $0xFFFFFF98, v47;
	[tilespmem:s10+$0x100] =	vst v32;
	v32 =	vld.idx.msk [tilespmem:v35+s4+$0x0], $0xffff  }
0x8b: {  	v44 =	vand.u32 $0xFFFFFF98, v44;
	v35 =	vor.u32 v1, v33;
	v47 =	vor.u32 v1, v30;
	v48 =	vld.idx.msk [tilespmem:v28+s4+$0x0], $0xffff;
	[tilespmem:s30+$0x200] =	vst v27  }
0x8c: {  	v33 =	vand.u32 $0xFFFFFFA8, v40;
	v40 =	vadd.s32 v3, v21;
	v28 =	vand.u32 $0xFFFFFFB8, v45;
	v50 =	vld.idx.msk [tilespmem:v9+s4+$0x0], $0xffff;
	v9 =	vmovc v39  }
0x8d: {  	v24 =	vand.u32 $0xFFFFFFD8, v24;
	s8 =	sadd.s32 $0x5300, s9;
	v26 =	vor.u32 v1, v26;
	v27 =	vadd.s32 v4, v21;
	v51 =	vld.idx.msk [tilespmem:v46+s4+$0x0], $0xffff;
	[tilespmem:s22+$0x300] =	vst v41  }
0x8e: {  	v24 =	vor.u32 v1, v24;
	s6 =	sor.u32 s6, s8;
	v30 =	vand.u32 $0xFFFFFFB8, v27;
	v41 =	vadd.s32 v2, v19;
	[tilespmem:s23+$0x280] =	vst v29;
	v52 =	vld.idx.msk [tilespmem:v11+s4+$0x0], $0xffff  }
0x8f: {  	v27 =	vand.u32 $0xFFFFFFC8, v43;
	v46 =	vadd.s32 v5, v19;
	v29 =	vadd.s32 v6, v22;
	[tilespmem:s6+$0x0] =	vst v42;
	v39 =	vld.idx.msk [tilespmem:v34+s4+$0x0], $0xffff  }
.Ltmp2:
0x90: {  	v43 =	vor.u32 v1, v44;
	v34 =	vadd.s32 v3, v22;
	v29 =	vand.u32 $0xFFFFFFD8, v29;
	v42 =	vld.idx.msk [tilespmem:v47+s4+$0x0], $0xffff;
	[tilespmem:s25+$0x200] =	vst v32;
	(pc) =	sbr.rel @p1 .LBB2_3-.Ltmp2, $4  }
0x91: {  	v11 =	vmovc v38;
	v32 =	vadd.s32 v6, v17;
	v44 =	vand.u32 $0xFFFFFFA8, v34;
	v45 =	vld.idx.msk [tilespmem:v35+s4+$0x0], $0xffff;
	v35 =	vand.u32 $0xFFFFFFC8, v46;
	[tilespmem:s10+$0x180] =	vst v48  }
0x92: {  	s7 =	sor.u32 s7, s8;
	v34 =	vand.u32 $0xFFFFFFD8, v32;
	v32 =	vand.u32 $0xFFFFFF98, v41;
	v44 =	vor.u32 v1, v44;
	v41 =	vld.idx.msk [tilespmem:v36+s4+$0x0], $0xffff;
	[tilespmem:s24+$0x380] =	vst v50;
	s24 =	smov.u32 s10  }
0x93: {  	v47 =	vadd.s32 v7, v22;
	v36 =	vand.u32 $0xFFFFFFA8, v49;
	v46 =	vor.u32 v1, v32;
	[tilespmem:s7+$0x0] =	vst v51;
	v38 =	vld.idx.msk [tilespmem:v24+s4+$0x0], $0xffff  }
0x94: {  	v32 =	vor.u32 v1, v36;
	v24 =	vadd.s32 v6, v19;
	v36 =	vand.u32 $0xFFFFFFE8, v47;
	[tilespmem:s22+$0x380] =	vst v52;
	s22 =	smov.u32 s30;
	s30 =	smov.u32 s7  }
0x95: {  	v37 =	vor.u32 v1, v37;
	_ =	sdelay $0x4  }
0x96: {  	v37 =	vld.idx.msk [tilespmem:v37+s4+$0x0], $0xffff;
	_ =	sdelay $0x1  }
0x97: {  	s2 =	sor.u32 s31, s8  }
0x98: {  	[tilespmem:s2+$0x0] =	vst v45  }
0x99: {  	s7 =	sor.u32 s29, s8;
	v45 =	vld.idx.msk [tilespmem:v46+s4+$0x0], $0xffff  }
0x9a: {  	v33 =	vor.u32 v1, v33;
	v61 =	vld.idx.msk [tilespmem:v43+s4+$0x0], $0xffff;
	v40 =	vand.u32 $0xFFFFFFA8, v40;
	[tilespmem:s7+$0x0] =	vst v37  }
0x9b: {  	v40 =	vor.u32 v1, v40;
	v26 =	vld.idx.msk [tilespmem:v26+s4+$0x0], $0xffff  }
0x9c: {  	[tilespmem:s6+$0x80] =	vst v42  }
0x9d: {  	[tilespmem:s23+$0x300] =	vst v39  }
0x9e: {  	v62 =	vadd.s32 v4, v19;
	v42 =	vld.idx.msk [tilespmem:v44+s4+$0x0], $0xffff;
	[tilespmem:s2+$0x80] =	vst v45  }
0x9f: {  	v25 =	vor.u32 v1, v25;
	v43 =	vand.u32 $0xFFFFFFB8, v62;
	[tilespmem:s30+$0x80] =	vst v61;
	v33 =	vld.idx.msk [tilespmem:v33+s4+$0x0], $0xffff  }
0xa0: {  	v63 =	vor.u32 v1, v43;
	v37 =	vld.idx.msk [tilespmem:v40+s4+$0x0], $0xffff;
	[tilespmem:s7+$0x80] =	vst v26  }
0xa1: {  	v30 =	vor.u32 v1, v30;
	[tilespmem:s24+$0x200] =	vst v41;
	v32 =	vld.idx.msk [tilespmem:v32+s4+$0x0], $0xffff  }
0xa2: {  	v28 =	vor.u32 v1, v28;
	v20 =	vld.idx.msk [tilespmem:v20+s4+$0x0], $0xffff;
	[tilespmem:s25+$0x280] =	vst v38  }
0xa3: {  	v16 =	vld.idx.msk [tilespmem:v16+s4+$0x0], $0xffff;
	[tilespmem:s6+$0x100] =	vst v42  }
0xa4: {  	v15 =	vor.u32 v1, v15;
	v25 =	vld.idx.msk [tilespmem:v25+s4+$0x0], $0xffff;
	[tilespmem:s2+$0x100] =	vst v33  }
0xa5: {  	v23 =	vor.u32 v1, v23;
	[tilespmem:s30+$0x100] =	vst v37;
	v26 =	vld.idx.msk [tilespmem:v63+s4+$0x0], $0xffff  }
0xa6: {  	v40 =	vor.u32 v1, v35;
	v30 =	vld.idx.msk [tilespmem:v30+s4+$0x0], $0xffff;
	[tilespmem:s7+$0x100] =	vst v32  }
0xa7: {  	v31 =	vand.u32 $0xFFFFFFC8, v31;
	v41 =	vor.u32 v1, v27;
	[tilespmem:s23+$0x380] =	vst v20;
	v28 =	vld.idx.msk [tilespmem:v28+s4+$0x0], $0xffff  }
0xa8: {  	v31 =	vor.u32 v1, v31;
	v13 =	vld.idx.msk [tilespmem:v13+s4+$0x0], $0xffff;
	[tilespmem:s24+$0x280] =	vst v16  }
0xa9: {  	v15 =	vld.idx.msk [tilespmem:v15+s4+$0x0], $0xffff;
	[tilespmem:s6+$0x180] =	vst v25  }
0xaa: {  	v14 =	vor.u32 v1, v14;
	v23 =	vld.idx.msk [tilespmem:v23+s4+$0x0], $0xffff;
	[tilespmem:s2+$0x180] =	vst v26  }
0xab: {  	v24 =	vand.u32 $0xFFFFFFD8, v24;
	v43 =	vadd.s32 v6, v21;
	v42 =	vor.u32 v1, v29;
	[tilespmem:s30+$0x180] =	vst v30;
	v26 =	vld.idx.msk [tilespmem:v40+s4+$0x0], $0xffff  }
0xac: {  	v24 =	vor.u32 v1, v24;
	v27 =	vand.u32 $0xFFFFFFD8, v43;
	v45 =	vld.idx.msk [tilespmem:v41+s4+$0x0], $0xffff;
	[tilespmem:s7+$0x180] =	vst v28  }
0xad: {  	v46 =	vor.u32 v1, v27;
	[tilespmem:s25+$0x300] =	vst v13;
	v28 =	vld.idx.msk [tilespmem:v31+s4+$0x0], $0xffff  }
0xae: {  	v44 =	vor.u32 v1, v34;
	v10 =	vld.idx.msk [tilespmem:v10+s4+$0x0], $0xffff;
	[tilespmem:s22+$0x280] =	vst v15  }
0xaf: {  	v14 =	vld.idx.msk [tilespmem:v14+s4+$0x0], $0xffff;
	[tilespmem:s6+$0x200] =	vst v23  }
0xb0: {  	v47 =	vadd.s32 v7, v19;
	v23 =	vld.idx.msk [tilespmem:v42+s4+$0x0], $0xffff;
	[tilespmem:s2+$0x200] =	vst v26  }
0xb1: {  	v49 =	vor.u32 v1, v36;
	v50 =	vadd.s32 v7, v21;
	v20 =	vand.u32 $0xFFFFFFE8, v47;
	[tilespmem:s30+$0x200] =	vst v45;
	v24 =	vld.idx.msk [tilespmem:v24+s4+$0x0], $0xffff  }
0xb2: {  	v48 =	vadd.s32 v7, v17;
	v21 =	vand.u32 $0xFFFFFFE8, v50;
	v20 =	vor.u32 v1, v20;
	v52 =	vld.idx.msk [tilespmem:v46+s4+$0x0], $0xffff;
	[tilespmem:s7+$0x200] =	vst v28  }
0xb3: {  	v53 =	vor.u32 v1, v21;
	v25 =	vand.u32 $0xFFFFFFE8, v48;
	[tilespmem:s24+$0x300] =	vst v10;
	v51 =	vld.idx.msk [tilespmem:v44+s4+$0x0], $0xffff  }
0xb4: {  	v12 =	vld.idx.msk [tilespmem:v12+s4+$0x0], $0xffff;
	v25 =	vor.u32 v1, v25;
	[tilespmem:s25+$0x380] =	vst v14  }
0xb5: {  	v54 =	vadd.s32 v8, v22;
	v9 =	vld.idx.msk [tilespmem:v9+s4+$0x0], $0xffff;
	[tilespmem:s6+$0x280] =	vst v23  }
0xb6: {  	v55 =	vadd.s32 v8, v19;
	v15 =	vand.u32 $0xFFFFFFF8, v54;
	v56 =	vld.idx.msk [tilespmem:v49+s4+$0x0], $0xffff;
	[tilespmem:s2+$0x280] =	vst v24  }
0xb7: {  	v19 =	vand.u32 $0xFFFFFFF8, v55;
	v15 =	vor.u32 v1, v15;
	[tilespmem:s30+$0x280] =	vst v52;
	v20 =	vld.idx.msk [tilespmem:v20+s4+$0x0], $0xffff  }
0xb8: {  	v57 =	vadd.s32 v8, v17;
	v59 =	vor.u32 v1, v19;
	v61 =	vand.u32 $0xFFFFFFF8, v18;
	v10 =	vld.idx.msk [tilespmem:v53+s4+$0x0], $0xffff;
	[tilespmem:s7+$0x280] =	vst v51  }
0xb9: {  	v58 =	vand.u32 $0xFFFFFFF8, v57;
	v14 =	vor.u32 v1, v61;
	[tilespmem:s22+$0x300] =	vst v12;
	v60 =	vld.idx.msk [tilespmem:v25+s4+$0x0], $0xffff  }
0xba: {  	v13 =	vor.u32 v1, v58;
	[tilespmem:s24+$0x380] =	vst v9  }
0xbb: {  	v11 =	vld.idx.msk [tilespmem:v11+s4+$0x0], $0xffff;
	[tilespmem:s6+$0x300] =	vst v56  }
0xbc: {  	v62 =	vld.idx.msk [tilespmem:v15+s4+$0x0], $0xffff;
	[tilespmem:s2+$0x300] =	vst v20  }
0xbd: {  	[tilespmem:s30+$0x300] =	vst v10;
	v63 =	vld.idx.msk [tilespmem:v59+s4+$0x0], $0xffff  }
0xbe: {  	v9 =	vld.idx.msk [tilespmem:v14+s4+$0x0], $0xffff;
	[tilespmem:s7+$0x300] =	vst v60  }
0xbf: {  	v13 =	vld.idx.msk [tilespmem:v13+s4+$0x0], $0xffff  }
0xc0: {  	p1 =	sne.s32 s20, $0xF;
	[tilespmem:s22+$0x380] =	vst v11  }
.Ltmp3:
0xc1: {  	s29 =	sshll.u32 s20, $0xD;
	[tilespmem:s6+$0x380] =	vst v62;
	(pc) =	sbr.rel @p1 .LBB2_6-.Ltmp3, $4  }
0xc2: {  	s23 =	sand.u32 $0xE000, s29;
	[tilespmem:s2+$0x380] =	vst v63  }
0xc3: {  	s31 =	sadd.s32 s3, s23;
	s22 =	sshll.u32 s0, $0x10;
	[tilespmem:s30+$0x380] =	vst v9  }
0xc4: {  	s0 =	sadd.s32 s22, s31;
	[tilespmem:s7+$0x380] =	vst v13  }
0xc5: {  	[hbm4b:s0+s4] =	stream.linear.scatter [tilespmem:s14], [sflag:$0x3], $0x8000, $0x38;
	[tilespmem:$0x15300] =	vst v63  }
.Ltmp4:
0xc6: {  	(pc) =	sbr.rel .LBB2_7-.Ltmp4, $4  }
0xc7: {  	_ = 	snop  }
0xc8: {  	_ =	swait.ge [sflag:s15], $0x1000  }
0xc9: {  	[sflag:s15] =	ssyncset.done $0x0  }
0xca: {  	[sflag:s15] =	ssyncadd.s32 $0xFFFFF000  }
.LBB2_6:
0xcb: {  	s0 =	sadd.s32 $0x2, s21  }
0xcc: {  	s2 =	sshrl.u32 s0, $0x4;
	s0 =	sshll.u32 s0, $0x9  }
0xcd: {  	s2 =	sadd.s32 s5, s2;
	s0 =	sand.u32 $0x1C00, s0  }
0xce: {  	s2 =	sshll.u32 s2, $0xD;
	s0 =	sadd.s32 s1, s0  }
.Ltmp5:
0xcf: {  	s31 =	simm.s32 $0x3300;
	s0 =	sadd.s32 s2, s0;
	(pc) =	sbr.rel @p0 .LBB2_8-.Ltmp5, $4  }
0xd0: {  	[tilespmem:s31], [sflag:$0x1] =	stream.linear.gather [hbm4b:s0+s4], $0x1000, $0x38;
	[tilespmem:$0x15300] =	vst v63  }
0xd1: {  	_ =	swait.ge [sflag:s15], $0x1000  }
0xd2: {  	[sflag:s15] =	ssyncset.done $0x0  }
0xd3: {  	[sflag:s15] =	ssyncadd.s32 $0xFFFFF000  }
.LBB2_7:
0xd4: {  	_ =	swait.ge [sflag:s16], $0x8000  }
0xd5: {  	[sflag:s16] =	ssyncset.done $0x0  }
0xd6: {  	[sflag:s16] =	ssyncadd.s32 $0xFFFF8000  }
.LBB2_8:
0xd7: {  	s0 =	simm.s32 $0x0  }
0xd8: {  	s2 =	simm.s32 $0x0;
	s9 =	sand.u32 $0x7, s0  }
0xd9: {  	s25 =	simm.s32 $0x0;
	s6 =	sand.u32 $0x3FFFF800, s2;
	s7 =	sshll.u32 s9, $0x7  }
0xda: {  	s26 =	sand.u32 $0x400, s25;
	s6 =	sor.u32 s7, s6  }
0xdb: {  	s6 =	sor.u32 s26, s6  }
0xdc: {  	s0 =	sand.u32 $0x40, s25;
	s10 =	sadd.s32 $0x4300, s6  }
0xdd: {  	s6 =	sor.u32 $0x10, s0;
	s12 =	sor.u32 s0, s10  }
0xde: {  	s8 =	sor.u32 $0x20, s0;
	s18 =	sor.u32 s6, s10;
	v9 =	vld [tilespmem:s12+$0x0]  }
0xdf: {  	s11 =	sor.u32 s8, s10;
	v10 =	vld [tilespmem:s18+$0x0]  }
0xe0: {  	s7 =	sor.u32 $0x30, s0;
	v11 =	vld [tilespmem:s11+$0x0]  }
0xe1: {  	s10 =	sor.u32 s7, s10  }
0xe2: {  	v12 =	vld [tilespmem:s10+$0x0];
	_ =	sdelay $0x1  }
0xe3: {  	v13 =	vshra.s32 v9, $0x1F  }
0xe4: {  	v14 =	vshra.s32 v11, $0x1F;
	v9 =	vor.u32 v13, v9;
	v13 =	vshra.s32 v10, $0x1F  }
0xe5: {  	v11 =	vor.u32 v14, v11;
	vm0 =	vlt.s32 v9, $0x64;
	v10 =	vor.u32 v13, v10  }
0xe6: {  	v13 =	vshra.s32 v12, $0x1F;
	vm10 =	vlt.s32 v11, $0x64;
	v9 =	vnsel vm0, $0x64, v9  }
0xe7: {  	vm1 =	vlt.s32 v10, $0x64;
	v12 =	vor.u32 v13, v12;
	v11 =	vnsel vm10, $0x64, v11  }
0xe8: {  	v10 =	vnsel vm1, $0x64, v10;
	vm11 =	vlt.s32 v12, $0x64;
	v11 =	vshll.u32 v11, $0x7  }
0xe9: {  	v9 =	vshll.u32 v9, $0x7;
	v12 =	vnsel vm11, $0x64, v12;
	v13 =	vadd.s32 v0, v11  }
0xea: {  	v14 =	vadd.s32 v2, v11;
	v18 =	vadd.s32 v0, v9;
	v19 =	vadd.s32 v4, v9  }
0xeb: {  	v20 =	vadd.s32 v2, v9;
	v21 =	vshll.u32 v10, $0x7;
	v10 =	vadd.s32 v5, v11  }
0xec: {  	v22 =	vadd.s32 v5, v9;
	v23 =	vadd.s32 v4, v11;
	v32 =	vadd.s32 v6, v11  }
0xed: {  	v33 =	vadd.s32 v3, v11;
	v40 =	vadd.s32 v7, v9;
	v12 =	vshll.u32 v12, $0x7  }
0xee: {  	v13 =	vand.u32 $0xFFFFFF88, v13;
	v18 =	vand.u32 $0xFFFFFF88, v18;
	v24 =	vadd.s32 v0, v21  }
0xef: {  	v23 =	vand.u32 $0xFFFFFFB8, v23;
	v25 =	vand.u32 $0xFFFFFFC8, v10;
	v10 =	vadd.s32 v3, v9  }
0xf0: {  	v14 =	vand.u32 $0xFFFFFF98, v14;
	v20 =	vand.u32 $0xFFFFFF98, v20;
	v27 =	vadd.s32 v3, v21  }
0xf1: {  	v19 =	vand.u32 $0xFFFFFFB8, v19;
	v32 =	vand.u32 $0xFFFFFFD8, v32;
	v22 =	vand.u32 $0xFFFFFFC8, v22  }
0xf2: {  	v15 =	vadd.s32 v0, v12;
	v16 =	vadd.s32 v2, v12;
	v13 =	vor.u32 v1, v13  }
0xf3: {  	v17 =	vadd.s32 v8, v12;
	v26 =	vadd.s32 v5, v12;
	v24 =	vand.u32 $0xFFFFFF88, v24  }
0xf4: {  	v14 =	vor.u32 v1, v14;
	v27 =	vand.u32 $0xFFFFFFA8, v27;
	v29 =	vadd.s32 v3, v12  }
0xf5: {  	v30 =	vor.u32 v1, v20;
	v20 =	vadd.s32 v2, v21;
	v10 =	vand.u32 $0xFFFFFFA8, v10  }
0xf6: {  	v18 =	vor.u32 v1, v18;
	v39 =	vadd.s32 v6, v12;
	v23 =	vor.u32 v1, v23  }
0xf7: {  	s19 =	simm.s32 $0x0;
	v42 =	vor.u32 v1, v19;
	v32 =	vor.u32 v1, v32;
	v25 =	vor.u32 v1, v25  }
0xf8: {  	s9 =	sshll.u32 s9, $0xB;
	s10 =	sand.u32 $0x3FFFC000, s19;
	v15 =	vand.u32 $0xFFFFFF88, v15;
	v28 =	vor.u32 v1, v24;
	v16 =	vand.u32 $0xFFFFFF98, v16  }
0xf9: {  	s24 =	simm.s32 $0x0;
	s29 =	simm.s32 $0x200;
	s9 =	sor.u32 s9, s10;
	v24 =	vadd.s32 v4, v12;
	v26 =	vand.u32 $0xFFFFFFC8, v26;
	v20 =	vand.u32 $0xFFFFFF98, v20;
	v13 =	vld.idx.msk [tilespmem:v13+s4+$0x0], $0xffff  }
0xfa: {  	s2 =	sor.u32 s26, s9;
	s26 =	simm.s32 $0x40;
	s9 =	sand.u32 $0x7, s24;
	v37 =	vor.u32 v1, v10;
	v17 =	vand.u32 $0xFFFFFFF8, v17;
	v27 =	vor.u32 v1, v27  }
0xfb: {  	s19 =	sadd.s32 $0xD300, s2;
	s10 =	sand.u32 $0x3FFFF800, s26;
	s11 =	sshll.u32 s9, $0x7;
	v15 =	vor.u32 v1, v15;
	v31 =	vand.u32 $0xFFFFFFB8, v24;
	v24 =	vadd.s32 v5, v21  }
0xfc: {  	s25 =	sor.u32 s8, s19;
	s8 =	sand.u32 $0x400, s29;
	s2 =	sor.u32 s11, s10;
	v34 =	vor.u32 v1, v16;
	v16 =	vadd.s32 v6, v9;
	v36 =	vor.u32 v1, v20  }
0xfd: {  	s30 =	simm.s32 $0x40;
	s2 =	sor.u32 s8, s2;
	v20 =	vadd.s32 v7, v11;
	v35 =	vand.u32 $0xFFFFFFC8, v24;
	v24 =	vand.u32 $0xFFFFFFA8, v33;
	v28 =	vld.idx.msk [tilespmem:v28+s4+$0x0], $0xffff  }
0xfe: {  	s31 =	sand.u32 $0x40, s30;
	s12 =	sadd.s32 $0x4300, s2;
	v11 =	vadd.s32 v8, v11;
	v20 =	vand.u32 $0xFFFFFFE8, v20;
	v33 =	vor.u32 v1, v24;
	[tilespmem:s25+$0x0] =	vst v13  }
0xff: {  	s24 =	sor.u32 s31, s12;
	v24 =	vadd.s32 v6, v21;
	v43 =	vor.u32 v1, v20;
	v13 =	vadd.s32 v7, v21;
	v10 =	vld.idx.msk [tilespmem:v14+s4+$0x0], $0xffff  }
0x100: {  	s10 =	sor.u32 $0x30, s31;
	v56 =	vld [tilespmem:s24+$0x0];
	v14 =	vand.u32 $0xFFFFFFA8, v29;
	v29 =	vand.u32 $0xFFFFFFF8, v11;
	v11 =	vadd.s32 v8, v21  }
0x101: {  	s28 =	sor.u32 s6, s19;
	s11 =	sor.u32 s10, s12;
	v41 =	vld.idx.msk [tilespmem:v15+s4+$0x0], $0xffff;
	v21 =	vadd.s32 v4, v21;
	v38 =	vor.u32 v1, v14;
	v14 =	vand.u32 $0xFFFFFFF8, v11  }
0x102: {  	s2 =	sor.u32 $0x10, s31;
	[tilespmem:s28+$0x0] =	vst v28;
	v11 =	vadd.s32 v7, v12;
	v20 =	vor.u32 v1, v29;
	v29 =	vld [tilespmem:s11+$0x0];
	v21 =	vand.u32 $0xFFFFFFB8, v21  }
0x103: {  	s26 =	sor.u32 s2, s12;
	v9 =	vadd.s32 v8, v9;
	v11 =	vand.u32 $0xFFFFFFE8, v11;
	v57 =	vor.u32 v1, v21;
	v21 =	vld.idx.msk [tilespmem:v36+s4+$0x0], $0xffff  }
0x104: {  	s18 =	sor.u32 $0x20, s31;
	v26 =	vor.u32 v1, v26;
	v12 =	vor.u32 v1, v11;
	v11 =	vor.u32 v1, v17;
	v17 =	vld [tilespmem:s26+$0x0];
	[tilespmem:s25+$0x80] =	vst v10  }
0x105: {  	s24 =	sor.u32 s7, s19;
	v16 =	vand.u32 $0xFFFFFFD8, v16;
	v9 =	vand.u32 $0xFFFFFFF8, v9;
	v31 =	vor.u32 v1, v31;
	s26 =	sor.u32 s18, s12;
	v33 =	vld.idx.msk [tilespmem:v33+s4+$0x0], $0xffff  }
0x106: {  	v9 =	vor.u32 v1, v9;
	v16 =	vor.u32 v1, v16;
	v24 =	vand.u32 $0xFFFFFFD8, v24;
	[tilespmem:s24+$0x0] =	vst v41;
	v19 =	vld [tilespmem:s26+$0x0]  }
0x107: {  	v35 =	vor.u32 v1, v35;
	v24 =	vor.u32 v1, v24;
	v28 =	vshra.s32 v56, $0x1F;
	v34 =	vld.idx.msk [tilespmem:v34+s4+$0x0], $0xffff  }
0x108: {  	v18 =	vld.idx.msk [tilespmem:v18+s4+$0x0], $0xffff;
	v13 =	vand.u32 $0xFFFFFFE8, v13;
	v41 =	vor.u32 v1, v22;
	v22 =	vor.u32 v28, v56  }
0x109: {  	v15 =	vand.u32 $0xFFFFFFD8, v39;
	v13 =	vor.u32 v1, v13;
	vm12 =	vlt.s32 v22, $0x64  }
0x10a: {  	v22 =	vnsel vm12, $0x64, v22;
	v10 =	vand.u32 $0xFFFFFFE8, v40;
	v28 =	vshra.s32 v17, $0x1F;
	[tilespmem:s25+$0x100] =	vst v33  }
0x10b: {  	v10 =	vor.u32 v1, v10;
	[tilespmem:s28+$0x80] =	vst v21;
	v17 =	vor.u32 v28, v17;
	v28 =	vshra.s32 v19, $0x1F;
	v23 =	vld.idx.msk [tilespmem:v23+s4+$0x0], $0xffff  }
0x10c: {  	s26 =	sor.u32 s0, s19;
	[tilespmem:s24+$0x80] =	vst v34;
	v27 =	vld.idx.msk [tilespmem:v27+s4+$0x0], $0xffff;
	vm13 =	vlt.s32 v17, $0x64;
	v19 =	vor.u32 v28, v19;
	v28 =	vshra.s32 v29, $0x1F  }
0x10d: {  	[tilespmem:s26+$0x0] =	vst v18;
	vm14 =	vlt.s32 v19, $0x64;
	v28 =	vor.u32 v28, v29;
	v29 =	vld.idx.msk [tilespmem:v38+s4+$0x0], $0xffff;
	v58 =	vnsel vm13, $0x64, v17  }
0x10e: {  	v17 =	vshll.u32 v22, $0x7;
	v18 =	vnsel vm14, $0x64, v19;
	vm15 =	vlt.s32 v28, $0x64;
	v19 =	vld.idx.msk [tilespmem:v30+s4+$0x0], $0xffff  }
0x10f: {  	v44 =	vadd.s32 v2, v17;
	v22 =	vshll.u32 v18, $0x7;
	v18 =	vnsel vm15, $0x64, v28  }
0x110: {  	v46 =	vadd.s32 v3, v17;
	v28 =	vadd.s32 v0, v22;
	v21 =	vshll.u32 v18, $0x7;
	[tilespmem:s25+$0x180] =	vst v23  }
0x111: {  	[tilespmem:s28+$0x100] =	vst v27;
	v30 =	vadd.s32 v2, v22;
	v18 =	vand.u32 $0xFFFFFF88, v28;
	v28 =	vadd.s32 v2, v21;
	v59 =	vld.idx.msk [tilespmem:v25+s4+$0x0], $0xffff  }
0x112: {  	v45 =	vld.idx.msk [tilespmem:v57+s4+$0x0], $0xffff;
	v30 =	vand.u32 $0xFFFFFF98, v30;
	v63 =	vadd.s32 v5, v21;
	v40 =	vadd.s32 v3, v21;
	[tilespmem:s24+$0x100] =	vst v29  }
0x113: {  	v60 =	vor.u32 v1, v18;
	v18 =	vadd.s32 v8, v21;
	v29 =	vadd.s32 v4, v17;
	[tilespmem:s26+$0x80] =	vst v19  }
0x114: {  	v48 =	vor.u32 v1, v30;
	v49 =	vand.u32 $0xFFFFFF98, v28;
	v23 =	vadd.s32 v0, v21;
	v27 =	vld.idx.msk [tilespmem:v37+s4+$0x0], $0xffff  }
0x115: {  	v62 =	vld.idx.msk [tilespmem:v31+s4+$0x0], $0xffff;
	v19 =	vshll.u32 v58, $0x7;
	v31 =	vadd.s32 v5, v17;
	v28 =	vand.u32 $0xFFFFFFB8, v29  }
0x116: {  	v29 =	vadd.s32 v6, v22;
	v58 =	vadd.s32 v3, v22;
	v23 =	vand.u32 $0xFFFFFF88, v23;
	[tilespmem:s25+$0x200] =	vst v59  }
0x117: {  	s12 =	simm.s32 $0x200;
	v25 =	vadd.s32 v0, v17;
	v33 =	vadd.s32 v0, v19;
	v61 =	vor.u32 v1, v23;
	v32 =	vld.idx.msk [tilespmem:v32+s4+$0x0], $0xffff  }
0x118: {  	s0 =	sand.u32 $0x3FFFC000, s12;
	s19 =	sshll.u32 s9, $0xB;
	v44 =	vand.u32 $0xFFFFFF98, v44;
	v54 =	vadd.s32 v3, v19;
	v56 =	vadd.s32 v2, v19;
	[tilespmem:s28+$0x180] =	vst v45;
	v36 =	vld.idx.msk [tilespmem:v60+s4+$0x0], $0xffff  }
0x119: {  	s0 =	sor.u32 s19, s0;
	v57 =	vadd.s32 v5, v19;
	v23 =	vadd.s32 v5, v22;
	v33 =	vand.u32 $0xFFFFFF88, v33;
	v51 =	vld.idx.msk [tilespmem:v35+s4+$0x0], $0xffff;
	[tilespmem:s26+$0x100] =	vst v27  }
0x11a: {  	s0 =	sor.u32 s8, s0;
	v37 =	vand.u32 $0xFFFFFF88, v25;
	v25 =	vadd.s32 v4, v22;
	v47 =	vor.u32 v1, v33;
	[tilespmem:s24+$0x180] =	vst v62;
	v55 =	vld.idx.msk [tilespmem:v42+s4+$0x0], $0xffff  }
0x11b: {  	s9 =	sadd.s32 $0xD300, s0;
	v29 =	vand.u32 $0xFFFFFFD8, v29;
	v25 =	vand.u32 $0xFFFFFFB8, v25;
	v23 =	vand.u32 $0xFFFFFFC8, v23;
	v50 =	vld.idx.msk [tilespmem:v26+s4+$0x0], $0xffff  }
0x11c: {  	s8 =	sor.u32 s18, s9;
	v33 =	vand.u32 $0xFFFFFFA8, v54;
	v35 =	vand.u32 $0xFFFFFFC8, v57;
	v26 =	vor.u32 v1, v44;
	v38 =	vld.idx.msk [tilespmem:v61+s4+$0x0], $0xffff;
	[tilespmem:s25+$0x280] =	vst v32  }
0x11d: {  	v60 =	vand.u32 $0xFFFFFFA8, v58;
	v27 =	vadd.s32 v4, v21;
	[tilespmem:s8+$0x0] =	vst v36;
	v39 =	vld.idx.msk [tilespmem:v43+s4+$0x0], $0xffff;
	v43 =	vor.u32 v1, v49  }
0x11e: {  	v62 =	vand.u32 $0xFFFFFFA8, v46;
	v59 =	vadd.s32 v6, v17;
	v44 =	vor.u32 v1, v60;
	[tilespmem:s28+$0x200] =	vst v51;
	v42 =	vld.idx.msk [tilespmem:v48+s4+$0x0], $0xffff  }
0x11f: {  	v30 =	vand.u32 $0xFFFFFFB8, v27;
	v27 =	vand.u32 $0xFFFFFFC8, v63;
	v61 =	vand.u32 $0xFFFFFF98, v56;
	v45 =	vld.idx.msk [tilespmem:v47+s4+$0x0], $0xffff;
	[tilespmem:s26+$0x180] =	vst v55  }
0x120: {  	s0 =	sor.u32 s10, s9;
	v34 =	vand.u32 $0xFFFFFFD8, v59;
	v63 =	vadd.s32 v7, v22;
	v46 =	vor.u32 v1, v61;
	[tilespmem:s24+$0x200] =	vst v50;
	v41 =	vld.idx.msk [tilespmem:v41+s4+$0x0], $0xffff  }
0x121: {  	s6 =	simm.s32 $0x4;
	v36 =	vand.u32 $0xFFFFFFE8, v63;
	[tilespmem:s0+$0x0] =	vst v38;
	v38 =	vld.idx.msk [tilespmem:v24+s4+$0x0], $0xffff;
	v32 =	vor.u32 v1, v62;
	v24 =	vadd.s32 v6, v19  }
.LBB2_9:
0x122: {  	s6 =	sadd.s32 $0x4, s6;
	v37 =	vor.u32 v1, v37;
	v31 =	vand.u32 $0xFFFFFFC8, v31;
	s19 =	sor.u32 s2, s9;
	v47 =	vadd.s32 v7, v19;
	v43 =	vld.idx.msk [tilespmem:v43+s4+$0x0], $0xffff;
	[tilespmem:s25+$0x300] =	vst v39  }
0x123: {  	v22 =	vadd.s32 v8, v22;
	v40 =	vand.u32 $0xFFFFFFA8, v40;
	s2 =	sshrl.u32 s6, $0x4;
	s7 =	sshll.u32 s6, $0x4;
	s10 =	sshll.u32 s6, $0x7;
	v39 =	vand.u32 $0xFFFFFFE8, v47;
	[tilespmem:s8+$0x80] =	vst v42;
	v20 =	vld.idx.msk [tilespmem:v20+s4+$0x0], $0xffff  }
0x124: {  	s29 =	sadd.s32 $0x200, s29;
	v22 =	vand.u32 $0xFFFFFFF8, v22;
	v40 =	vor.u32 v1, v40;
	s2 =	sand.u32 $0x7, s2;
	s7 =	sand.u32 $0x3FFFF800, s7;
	[tilespmem:s19+$0x0] =	vst v45;
	v39 =	vor.u32 v1, v39;
	v42 =	vld.idx.msk [tilespmem:v44+s4+$0x0], $0xffff  }
0x125: {  	s10 =	sand.u32 $0x3FFFC000, s10;
	v45 =	vadd.s32 v8, v19;
	s11 =	sshll.u32 s2, $0x7;
	s2 =	sshll.u32 s2, $0xB;
	v44 =	vld.idx.msk [tilespmem:v46+s4+$0x0], $0xffff;
	v46 =	vadd.s32 v6, v21;
	[tilespmem:s26+$0x200] =	vst v41  }
0x126: {  	s18 =	sand.u32 $0x400, s29;
	v41 =	vadd.s32 v7, v17;
	v45 =	vand.u32 $0xFFFFFFF8, v45;
	s7 =	sor.u32 s11, s7;
	s2 =	sor.u32 s2, s10;
	v46 =	vand.u32 $0xFFFFFFD8, v46;
	v47 =	vld.idx.msk [tilespmem:v16+s4+$0x0], $0xffff;
	[tilespmem:s28+$0x280] =	vst v38  }
0x127: {  	s30 =	sadd.s32 $0x40, s30;
	v17 =	vadd.s32 v8, v17;
	v21 =	vadd.s32 v7, v21;
	v16 =	vand.u32 $0xFFFFFFE8, v41;
	s10 =	sor.u32 s18, s7;
	s7 =	sor.u32 s18, s2;
	v41 =	vld.idx.msk [tilespmem:v13+s4+$0x0], $0xffff;
	v13 =	vmovc v39  }
0x128: {  	p0 =	slt.u32 s6, $0xFC;
	s11 =	sand.u32 $0x40, s30;
	v48 =	vor.u32 v1, v16;
	v16 =	vand.u32 $0xFFFFFFF8, v17;
	v17 =	vand.u32 $0xFFFFFFE8, v21;
	s18 =	sadd.s32 $0x4300, s10;
	v37 =	vld.idx.msk [tilespmem:v37+s4+$0x0], $0xffff;
	[tilespmem:s0+$0x80] =	vst v43  }
0x129: {  	s2 =	sor.u32 $0x10, s11;
	v21 =	vor.u32 v1, v25;
	v39 =	vor.u32 v1, v16;
	v16 =	vand.u32 $0xFFFFFFF8, v18;
	s10 =	sor.u32 s11, s18;
	v25 =	vld.idx.msk [tilespmem:v40+s4+$0x0], $0xffff;
	[tilespmem:s25+$0x380] =	vst v20;
	s25 =	smov.u32 s8  }
0x12a: {  	v33 =	vor.u32 v1, v33;
	s8 =	sor.u32 $0x20, s11;
	v40 =	vor.u32 v1, v17;
	v38 =	vor.u32 v1, v16;
	v18 =	vld [tilespmem:s10+$0x0];
	s10 =	sor.u32 s2, s18;
	[tilespmem:s25+$0x100] =	vst v42  }
0x12b: {  	v28 =	vor.u32 v1, v28;
	v43 =	vor.u32 v1, v15;
	s12 =	sor.u32 s8, s18;
	v42 =	vor.u32 v1, v14;
	v14 =	vmovc v45;
	v17 =	vld [tilespmem:s10+$0x0];
	s10 =	sor.u32 $0x30, s11  }
0x12c: {  	v16 =	vor.u32 v1, v34;
	v34 =	vor.u32 v1, v36;
	v20 =	vor.u32 v1, v22;
	v45 =	vld [tilespmem:s12+$0x0];
	s12 =	sor.u32 s10, s18;
	[tilespmem:s19+$0x80] =	vst v44  }
0x12d: {  	v35 =	vor.u32 v1, v35;
	v15 =	vadd.s32 v4, v19;
	v19 =	vor.u32 v1, v30;
	s18 =	sor.u32 s31, s9;
	s31 =	smov.u32 s11;
	v22 =	vld [tilespmem:s12+$0x0];
	[tilespmem:s28+$0x300] =	vst v41  }
0x12e: {  	v29 =	vor.u32 v1, v29;
	v27 =	vor.u32 v1, v27;
	v15 =	vand.u32 $0xFFFFFFB8, v15;
	[tilespmem:s18+$0x0] =	vst v37;
	v21 =	vld.idx.msk [tilespmem:v21+s4+$0x0], $0xffff  }
0x12f: {  	v36 =	vor.u32 v1, v31;
	v30 =	vshra.s32 v18, $0x1F;
	v31 =	vld.idx.msk [tilespmem:v33+s4+$0x0], $0xffff;
	v33 =	vor.u32 v1, v15;
	[tilespmem:s0+$0x100] =	vst v25  }
0x130: {  	v23 =	vor.u32 v1, v23;
	v18 =	vor.u32 v30, v18;
	v37 =	vshra.s32 v17, $0x1F;
	v25 =	vld.idx.msk [tilespmem:v26+s4+$0x0], $0xffff;
	[tilespmem:s26+$0x280] =	vst v47  }
0x131: {  	v15 =	vmovc v46;
	vm0 =	vlt.s32 v18, $0x64;
	v17 =	vor.u32 v37, v17;
	v26 =	vshra.s32 v45, $0x1F;
	v30 =	vld.idx.msk [tilespmem:v42+s4+$0x0], $0xffff  }
0x132: {  	vm1 =	vlt.s32 v17, $0x64;
	v26 =	vor.u32 v26, v45;
	v37 =	vshra.s32 v22, $0x1F;
	v19 =	vld.idx.msk [tilespmem:v19+s4+$0x0], $0xffff  }
0x133: {  	v18 =	vnsel vm0, $0x64, v18;
	vm0 =	vlt.s32 v26, $0x64;
	v37 =	vor.u32 v37, v22;
	v41 =	vld.idx.msk [tilespmem:v43+s4+$0x0], $0xffff  }
0x134: {  	v42 =	vnsel vm1, $0x64, v17;
	v22 =	vnsel vm0, $0x64, v26;
	vm0 =	vlt.s32 v37, $0x64;
	[tilespmem:s25+$0x180] =	vst v21;
	v26 =	vld.idx.msk [tilespmem:v10+s4+$0x0], $0xffff;
	v10 =	vmovc v48  }
0x135: {  	v17 =	vshll.u32 v18, $0x7;
	v22 =	vshll.u32 v22, $0x7;
	v18 =	vnsel vm0, $0x64, v37;
	[tilespmem:s19+$0x100] =	vst v31;
	v23 =	vld.idx.msk [tilespmem:v23+s4+$0x0], $0xffff  }
0x136: {  	v31 =	vadd.s32 v0, v22;
	v43 =	vadd.s32 v2, v22;
	v21 =	vshll.u32 v18, $0x7;
	[tilespmem:s18+$0x80] =	vst v25;
	v33 =	vld.idx.msk [tilespmem:v33+s4+$0x0], $0xffff  }
0x137: {  	v18 =	vand.u32 $0xFFFFFF88, v31;
	v25 =	vadd.s32 v0, v21;
	v44 =	vadd.s32 v2, v21;
	v32 =	vld.idx.msk [tilespmem:v32+s4+$0x0], $0xffff;
	[tilespmem:s28+$0x380] =	vst v30;
	s28 =	smov.u32 s19  }
0x138: {  	v30 =	vor.u32 v1, v18;
	v25 =	vand.u32 $0xFFFFFF88, v25;
	v18 =	vadd.s32 v8, v21;
	[tilespmem:s0+$0x180] =	vst v19  }
0x139: {  	v45 =	vadd.s32 v4, v17;
	v31 =	vadd.s32 v0, v17;
	v46 =	vor.u32 v1, v25;
	v27 =	vld.idx.msk [tilespmem:v27+s4+$0x0], $0xffff  }
0x13a: {  	v47 =	vadd.s32 v2, v17;
	v19 =	vshll.u32 v42, $0x7;
	v42 =	vadd.s32 v5, v22;
	[tilespmem:s24+$0x280] =	vst v41  }
0x13b: {  	v37 =	vand.u32 $0xFFFFFF88, v31;
	v31 =	vadd.s32 v5, v17;
	v25 =	vadd.s32 v4, v22;
	[tilespmem:s25+$0x200] =	vst v23;
	v41 =	vld.idx.msk [tilespmem:v12+s4+$0x0], $0xffff  }
0x13c: {  	v48 =	vadd.s32 v0, v19;
	v25 =	vand.u32 $0xFFFFFFB8, v25;
	v23 =	vand.u32 $0xFFFFFFC8, v42;
	v12 =	vmovc v40;
	[tilespmem:s28+$0x180] =	vst v33;
	v29 =	vld.idx.msk [tilespmem:v29+s4+$0x0], $0xffff  }
0x13d: {  	v49 =	vadd.s32 v3, v17;
	v42 =	vld.idx.msk [tilespmem:v30+s4+$0x0], $0xffff;
	v30 =	vand.u32 $0xFFFFFF98, v43;
	v43 =	vadd.s32 v5, v21;
	[tilespmem:s26+$0x300] =	vst v26  }
0x13e: {  	v40 =	vadd.s32 v3, v19;
	v33 =	vand.u32 $0xFFFFFF88, v48;
	v26 =	vand.u32 $0xFFFFFF98, v47;
	[tilespmem:s18+$0x100] =	vst v32;
	v32 =	vld.idx.msk [tilespmem:v35+s4+$0x0], $0xffff  }
0x13f: {  	v44 =	vand.u32 $0xFFFFFF98, v44;
	v35 =	vor.u32 v1, v33;
	v47 =	vor.u32 v1, v30;
	v48 =	vld.idx.msk [tilespmem:v28+s4+$0x0], $0xffff;
	[tilespmem:s0+$0x200] =	vst v27  }
0x140: {  	v33 =	vand.u32 $0xFFFFFFA8, v40;
	v40 =	vadd.s32 v3, v21;
	v28 =	vand.u32 $0xFFFFFFB8, v45;
	v50 =	vld.idx.msk [tilespmem:v9+s4+$0x0], $0xffff;
	v9 =	vmovc v39  }
0x141: {  	v24 =	vand.u32 $0xFFFFFFD8, v24;
	s9 =	sadd.s32 $0xD300, s7;
	v26 =	vor.u32 v1, v26;
	v27 =	vadd.s32 v4, v21;
	v51 =	vld.idx.msk [tilespmem:v46+s4+$0x0], $0xffff;
	[tilespmem:s24+$0x300] =	vst v41  }
0x142: {  	v24 =	vor.u32 v1, v24;
	s8 =	sor.u32 s8, s9;
	v30 =	vand.u32 $0xFFFFFFB8, v27;
	v41 =	vadd.s32 v2, v19;
	[tilespmem:s25+$0x280] =	vst v29;
	v52 =	vld.idx.msk [tilespmem:v11+s4+$0x0], $0xffff  }
0x143: {  	v27 =	vand.u32 $0xFFFFFFC8, v43;
	v46 =	vadd.s32 v5, v19;
	v29 =	vadd.s32 v6, v22;
	[tilespmem:s8+$0x0] =	vst v42;
	v39 =	vld.idx.msk [tilespmem:v34+s4+$0x0], $0xffff  }
.Ltmp6:
0x144: {  	v43 =	vor.u32 v1, v44;
	v34 =	vadd.s32 v3, v22;
	v29 =	vand.u32 $0xFFFFFFD8, v29;
	v42 =	vld.idx.msk [tilespmem:v47+s4+$0x0], $0xffff;
	[tilespmem:s28+$0x200] =	vst v32;
	(pc) =	sbr.rel @p0 .LBB2_9-.Ltmp6, $4  }
0x145: {  	v11 =	vmovc v38;
	v32 =	vadd.s32 v6, v17;
	v44 =	vand.u32 $0xFFFFFFA8, v34;
	v45 =	vld.idx.msk [tilespmem:v35+s4+$0x0], $0xffff;
	v35 =	vand.u32 $0xFFFFFFC8, v46;
	[tilespmem:s18+$0x180] =	vst v48  }
0x146: {  	s7 =	sor.u32 s10, s9;
	v34 =	vand.u32 $0xFFFFFFD8, v32;
	v32 =	vand.u32 $0xFFFFFF98, v41;
	v44 =	vor.u32 v1, v44;
	v41 =	vld.idx.msk [tilespmem:v36+s4+$0x0], $0xffff;
	[tilespmem:s26+$0x380] =	vst v50;
	s26 =	smov.u32 s18  }
0x147: {  	v47 =	vadd.s32 v7, v22;
	v36 =	vand.u32 $0xFFFFFFA8, v49;
	v46 =	vor.u32 v1, v32;
	[tilespmem:s7+$0x0] =	vst v51;
	v38 =	vld.idx.msk [tilespmem:v24+s4+$0x0], $0xffff  }
0x148: {  	v32 =	vor.u32 v1, v36;
	v24 =	vadd.s32 v6, v19;
	v36 =	vand.u32 $0xFFFFFFE8, v47;
	[tilespmem:s24+$0x380] =	vst v52;
	s24 =	smov.u32 s0;
	s0 =	smov.u32 s7  }
0x149: {  	v37 =	vor.u32 v1, v37;
	_ =	sdelay $0x4  }
0x14a: {  	v37 =	vld.idx.msk [tilespmem:v37+s4+$0x0], $0xffff;
	_ =	sdelay $0x1  }
0x14b: {  	s2 =	sor.u32 s2, s9  }
0x14c: {  	[tilespmem:s2+$0x0] =	vst v45  }
0x14d: {  	s6 =	sor.u32 s31, s9;
	v45 =	vld.idx.msk [tilespmem:v46+s4+$0x0], $0xffff  }
0x14e: {  	v33 =	vor.u32 v1, v33;
	v61 =	vld.idx.msk [tilespmem:v43+s4+$0x0], $0xffff;
	v40 =	vand.u32 $0xFFFFFFA8, v40;
	[tilespmem:s6+$0x0] =	vst v37  }
0x14f: {  	v40 =	vor.u32 v1, v40;
	v26 =	vld.idx.msk [tilespmem:v26+s4+$0x0], $0xffff  }
0x150: {  	[tilespmem:s8+$0x80] =	vst v42  }
0x151: {  	[tilespmem:s25+$0x300] =	vst v39  }
0x152: {  	v62 =	vadd.s32 v4, v19;
	v42 =	vld.idx.msk [tilespmem:v44+s4+$0x0], $0xffff;
	[tilespmem:s2+$0x80] =	vst v45  }
0x153: {  	v25 =	vor.u32 v1, v25;
	v43 =	vand.u32 $0xFFFFFFB8, v62;
	[tilespmem:s0+$0x80] =	vst v61;
	v33 =	vld.idx.msk [tilespmem:v33+s4+$0x0], $0xffff  }
0x154: {  	v63 =	vor.u32 v1, v43;
	v37 =	vld.idx.msk [tilespmem:v40+s4+$0x0], $0xffff;
	[tilespmem:s6+$0x80] =	vst v26  }
0x155: {  	v30 =	vor.u32 v1, v30;
	[tilespmem:s26+$0x200] =	vst v41;
	v32 =	vld.idx.msk [tilespmem:v32+s4+$0x0], $0xffff  }
0x156: {  	v28 =	vor.u32 v1, v28;
	v20 =	vld.idx.msk [tilespmem:v20+s4+$0x0], $0xffff;
	[tilespmem:s28+$0x280] =	vst v38  }
0x157: {  	v16 =	vld.idx.msk [tilespmem:v16+s4+$0x0], $0xffff;
	[tilespmem:s8+$0x100] =	vst v42  }
0x158: {  	v15 =	vor.u32 v1, v15;
	v25 =	vld.idx.msk [tilespmem:v25+s4+$0x0], $0xffff;
	[tilespmem:s2+$0x100] =	vst v33  }
0x159: {  	v23 =	vor.u32 v1, v23;
	[tilespmem:s0+$0x100] =	vst v37;
	v26 =	vld.idx.msk [tilespmem:v63+s4+$0x0], $0xffff  }
0x15a: {  	v40 =	vor.u32 v1, v35;
	v30 =	vld.idx.msk [tilespmem:v30+s4+$0x0], $0xffff;
	[tilespmem:s6+$0x100] =	vst v32  }
0x15b: {  	v31 =	vand.u32 $0xFFFFFFC8, v31;
	v41 =	vor.u32 v1, v27;
	[tilespmem:s25+$0x380] =	vst v20;
	v28 =	vld.idx.msk [tilespmem:v28+s4+$0x0], $0xffff  }
0x15c: {  	v31 =	vor.u32 v1, v31;
	v13 =	vld.idx.msk [tilespmem:v13+s4+$0x0], $0xffff;
	[tilespmem:s26+$0x280] =	vst v16  }
0x15d: {  	v15 =	vld.idx.msk [tilespmem:v15+s4+$0x0], $0xffff;
	[tilespmem:s8+$0x180] =	vst v25  }
0x15e: {  	v14 =	vor.u32 v1, v14;
	v23 =	vld.idx.msk [tilespmem:v23+s4+$0x0], $0xffff;
	[tilespmem:s2+$0x180] =	vst v26  }
0x15f: {  	v24 =	vand.u32 $0xFFFFFFD8, v24;
	v43 =	vadd.s32 v6, v21;
	v42 =	vor.u32 v1, v29;
	[tilespmem:s0+$0x180] =	vst v30;
	v26 =	vld.idx.msk [tilespmem:v40+s4+$0x0], $0xffff  }
0x160: {  	v24 =	vor.u32 v1, v24;
	v27 =	vand.u32 $0xFFFFFFD8, v43;
	v45 =	vld.idx.msk [tilespmem:v41+s4+$0x0], $0xffff;
	[tilespmem:s6+$0x180] =	vst v28  }
0x161: {  	v46 =	vor.u32 v1, v27;
	[tilespmem:s28+$0x300] =	vst v13;
	v28 =	vld.idx.msk [tilespmem:v31+s4+$0x0], $0xffff  }
0x162: {  	v44 =	vor.u32 v1, v34;
	v10 =	vld.idx.msk [tilespmem:v10+s4+$0x0], $0xffff;
	[tilespmem:s24+$0x280] =	vst v15  }
0x163: {  	v14 =	vld.idx.msk [tilespmem:v14+s4+$0x0], $0xffff;
	[tilespmem:s8+$0x200] =	vst v23  }
0x164: {  	v47 =	vadd.s32 v7, v19;
	v23 =	vld.idx.msk [tilespmem:v42+s4+$0x0], $0xffff;
	[tilespmem:s2+$0x200] =	vst v26  }
0x165: {  	v49 =	vor.u32 v1, v36;
	v50 =	vadd.s32 v7, v21;
	v20 =	vand.u32 $0xFFFFFFE8, v47;
	[tilespmem:s0+$0x200] =	vst v45;
	v24 =	vld.idx.msk [tilespmem:v24+s4+$0x0], $0xffff  }
0x166: {  	v48 =	vadd.s32 v7, v17;
	v21 =	vand.u32 $0xFFFFFFE8, v50;
	v20 =	vor.u32 v1, v20;
	v52 =	vld.idx.msk [tilespmem:v46+s4+$0x0], $0xffff;
	[tilespmem:s6+$0x200] =	vst v28  }
0x167: {  	v53 =	vor.u32 v1, v21;
	v25 =	vand.u32 $0xFFFFFFE8, v48;
	[tilespmem:s26+$0x300] =	vst v10;
	v51 =	vld.idx.msk [tilespmem:v44+s4+$0x0], $0xffff  }
0x168: {  	v12 =	vld.idx.msk [tilespmem:v12+s4+$0x0], $0xffff;
	v25 =	vor.u32 v1, v25;
	[tilespmem:s28+$0x380] =	vst v14  }
0x169: {  	v54 =	vadd.s32 v8, v22;
	v9 =	vld.idx.msk [tilespmem:v9+s4+$0x0], $0xffff;
	[tilespmem:s8+$0x280] =	vst v23  }
0x16a: {  	v55 =	vadd.s32 v8, v19;
	v15 =	vand.u32 $0xFFFFFFF8, v54;
	v56 =	vld.idx.msk [tilespmem:v49+s4+$0x0], $0xffff;
	[tilespmem:s2+$0x280] =	vst v24  }
0x16b: {  	v19 =	vand.u32 $0xFFFFFFF8, v55;
	v15 =	vor.u32 v1, v15;
	[tilespmem:s0+$0x280] =	vst v52;
	v20 =	vld.idx.msk [tilespmem:v20+s4+$0x0], $0xffff  }
0x16c: {  	v57 =	vadd.s32 v8, v17;
	v59 =	vor.u32 v1, v19;
	v61 =	vand.u32 $0xFFFFFFF8, v18;
	v10 =	vld.idx.msk [tilespmem:v53+s4+$0x0], $0xffff;
	[tilespmem:s6+$0x280] =	vst v51  }
0x16d: {  	v58 =	vand.u32 $0xFFFFFFF8, v57;
	v14 =	vor.u32 v1, v61;
	[tilespmem:s24+$0x300] =	vst v12;
	v60 =	vld.idx.msk [tilespmem:v25+s4+$0x0], $0xffff  }
0x16e: {  	v13 =	vor.u32 v1, v58;
	[tilespmem:s26+$0x380] =	vst v9  }
0x16f: {  	v11 =	vld.idx.msk [tilespmem:v11+s4+$0x0], $0xffff;
	[tilespmem:s8+$0x300] =	vst v56  }
0x170: {  	v62 =	vld.idx.msk [tilespmem:v15+s4+$0x0], $0xffff;
	[tilespmem:s2+$0x300] =	vst v20  }
0x171: {  	[tilespmem:s0+$0x300] =	vst v10;
	v63 =	vld.idx.msk [tilespmem:v59+s4+$0x0], $0xffff  }
0x172: {  	v9 =	vld.idx.msk [tilespmem:v14+s4+$0x0], $0xffff;
	[tilespmem:s6+$0x300] =	vst v60  }
0x173: {  	v13 =	vld.idx.msk [tilespmem:v13+s4+$0x0], $0xffff  }
0x174: {  	p0 =	seq.s32 s20, $0xF;
	[tilespmem:s24+$0x380] =	vst v11  }
.Ltmp7:
0x175: {  	[tilespmem:s8+$0x380] =	vst v62;
	(pc) =	sbr.rel @p0 .LBB2_12-.Ltmp7, $4  }
0x176: {  	s30 =	sadd.s32 s23, s3;
	[tilespmem:s2+$0x380] =	vst v63  }
0x177: {  	s2 =	sadd.s32 s22, s30;
	[tilespmem:s0+$0x380] =	vst v9  }
0x178: {  	s31 =	sadd.s32 $0x1000, s2;
	[tilespmem:s6+$0x380] =	vst v13  }
0x179: {  	[hbm4b:s31+s4] =	stream.linear.scatter [tilespmem:s17], [sflag:$0x4], $0x8000, $0x38;
	[tilespmem:$0x15300] =	vst v63  }
0x17a: {  	s0 =	sadd.s32 $0x3, s21  }
.Ltmp8:
0x17b: {  	s2 =	sshrl.u32 s0, $0x4;
	s0 =	sshll.u32 s0, $0x9;
	(pc) =	sbr.rel .LBB2_2-.Ltmp8, $4  }
0x17c: {  	s2 =	sadd.s32 s5, s2;
	s0 =	sand.u32 $0x1E00, s0  }
0x17d: {  	s2 =	sshll.u32 s2, $0xD;
	s0 =	sadd.s32 s1, s0  }
0x17e: {  	s31 =	simm.s32 $0x4300;
	s20 =	sadd.s32 $0x1, s20;
	s0 =	sadd.s32 s2, s0  }
0x17f: {  	[tilespmem:s31], [sflag:$0x2] =	stream.linear.gather [hbm4b:s0+s4], $0x1000, $0x38;
	[tilespmem:$0x15300] =	vst v63  }
.LBB2_13:
0x180: {  	_ =	sfence.sel $0x180000  }
0x181: {  	[bflag:$0x0] =	sbarrier.arrive $0xFFFF  }
0x182: {  	_ =	strace $0x90000047  }
0x183: {  	s0 =	stileid.u32;
	[bflag:$0x2] =	sbarrier.arrive $0xFFFF  }
0x184: {  	p0 =	sne.s32 s0, $0x0;
	s0 =	rddreg [dreg:$0x3]  }
0x185: {  	s0 =	sadd.s32 @!p0 $0x100000, s0  }
0x186: {  	[sflag:s0] =	ssyncadd.tile.s32 @!p0 $0x1;
	_ =	shalt  }
.Lfunc_end2:
_tile_overlayer_lowered:
.L_overlay_start_2:
0x187: {  	(tag) =	ssettag $0x2  }
0x188: {  	s0 =	rddreg [dreg:$0x0];
	s2 =	stileid.u32  }
0x189: {  	s1 =	rddreg [dreg:$0x1];
	p0 =	sne.s32 s2, $0x0  }
0x18a: {  	s3 =	rddreg [dreg:$0x2];
	[bflag:$0x3] =	sbarrier.arrive $0xFFFF;
	s2 =	simm.s32 @!p0 $0x1C05  }
0x18b: {  	[timem:s3], [sflag:s2] =	dma.local @!p0 [hbm:s0], s1  }
0x18c: {  	s0 =	simm.s32 @!p0 $0x5  }
0x18d: {  	_ =	swait.ge @!p0 [sflag:s0], s1  }
0x18e: {  	s1 =	ssub.s32 @!p0 $0x0, s1;
	[sflag:s0] =	ssyncset.done @!p0 $0x0  }
0x18f: {  	[sflag:s0] =	ssyncadd.s32 @!p0 s1  }
0x190: {  	[bflag:$0x3] =	sbarrier.arrive $0xFFFF  }
0x191: {  	_ =	shalt  }

</sc_bundles>
